<compile_context>
chip_gen: v7x
topology: tpu7x:2x2x1
jax: 0.10.2.dev20260603
libtpu: 0.0.44.dev20260713+nightly
codegen_flags: <defaults>
</compile_context>

<pallas_src>
import dataclasses
import functools
import math

import jax
import jax.numpy as jnp
from jax import lax
from jax.experimental import pallas as pl
from jax.experimental.pallas import tpu as pltpu
from jax.experimental.pallas import tpu_sc as plsc

_B, _S, _H, _D, _M, _DIN = 2, 2048, 8, 32, 32, 7
_LW = _DIN * _M
_HM = _H * _M
_NC, _NS = 2, 16
_NW = _NC * _NS
_NIDX = _B * _S * _M
_BPW = _NIDX // _NW
_SPW = _BPW // _M
_TW = _S * _DIN


_GW = 256


def _sc_gather_t(table_flat, idx_flat):
    mesh = plsc.VectorSubcoreMesh(core_axis_name="c", subcore_axis_name="s")
    cp = pltpu.CompilerParams()
    if "needs_layout_passes" in pltpu.CompilerParams.__dataclass_fields__:
        cp = dataclasses.replace(cp, needs_layout_passes=False)

    @functools.partial(
        pl.kernel,
        mesh=mesh,
        compiler_params=cp,
        out_type=jax.ShapeDtypeStruct((_B * _S * _GW,), jnp.float32),
        scratch_types=[
            pltpu.VMEM((_BPW,), jnp.int32),
            pltpu.VMEM((_TW,), jnp.float32),
            pltpu.VMEM((_SPW * _GW,), jnp.float32),
        ],
    )
    def gather_kernel(table_hbm, idx_hbm, out_hbm, idx_v, tab_v, out_v):
        wid = lax.axis_index("s") * _NC + lax.axis_index("c")
        bat = wid // _NS
        iwin = wid % _NS
        pltpu.sync_copy(idx_hbm.at[pl.ds(iwin * _BPW, _BPW)], idx_v)
        pltpu.sync_copy(table_hbm.at[pl.ds(bat * _TW, _TW)], tab_v)

        @plsc.parallel_loop(0, _SPW, unroll=4)
        def _(s):
            for j in range(_M // 16):
                a = idx_v[pl.ds(s * _M + j * 16, 16)] * _DIN
                for c in range(_DIN):
                    out_v[pl.ds(s * _GW + c * _M + j * 16, 16)] = (
                        plsc.load_gather(tab_v, [a + c]))

        pltpu.sync_copy(out_v, out_hbm.at[pl.ds(wid * _SPW * _GW,
                                                _SPW * _GW)])

    return gather_kernel(table_flat, idx_flat)


def _tc_body(h_ref, hgt_ref, wq_ref, wk_ref, wv_ref, wfc_ref,
             gamma_ref, beta_ref, bfc_ref, out_ref):
    f32 = jnp.float32
    bf16 = jnp.bfloat16
    h7 = h_ref[...]
    hgt = hgt_ref[...]
    gamma = gamma_ref[...]
    beta = beta_ref[...]
    bfc = bfc_ref[...]

    mu = jnp.sum(h7, axis=1, keepdims=True) * (1.0 / _DIN)
    xc = h7 - mu
    var = jnp.sum(xc * xc, axis=1, keepdims=True) * (1.0 / _DIN)
    qn = xc * lax.rsqrt(var + 1e-6) * gamma + beta

    wq = wq_ref[...] * (1.0 / math.sqrt(_D))
    wk = wk_ref[...]
    tdn = (((1,), (1,)), ((), ()))
    a_blocks = []
    for hh in range(_H):
        a_blocks.append(
            lax.dot_general(
                wq[:, hh * _D:(hh + 1) * _D],
                wk[:, hh * _D:(hh + 1) * _D],
                tdn,
                preferred_element_type=f32,
            )
        )
    a_flat = jnp.concatenate(a_blocks, axis=1)
    pr = lax.broadcasted_iota(jnp.int32, (_H * _DIN, _H * _DIN), 0)
    pc = lax.broadcasted_iota(jnp.int32, (_H * _DIN, _H * _DIN), 1)
    pcm_bf = (pc == (pr % _DIN) * _H + pr // _DIN).astype(jnp.bfloat16)
    a_cat2 = jax.lax.dot(a_flat.astype(bf16), pcm_bf,
                         preferred_element_type=f32)
    qhc = jax.lax.dot(qn, a_cat2,
                      preferred_element_type=f32)
    qhc_bf = qhc.astype(bf16)

    wv = wv_ref[...]
    wfc = wfc_ref[...]
    tgg_blocks = []
    for hh in range(_H):
        g_h = jax.lax.dot(
            wv[:, hh * _D:(hh + 1) * _D],
            wfc[hh * _D:(hh + 1) * _D, :],
            preferred_element_type=f32,
        )
        grow = jnp.concatenate([g_h[c:c + 1, :] for c in range(_DIN)],
                               axis=1)
        tgg_blocks.append(jnp.broadcast_to(grow, (_M, _DIN * _DIN)))
    tgg = jnp.concatenate(tgg_blocks, axis=0).astype(bf16)

    rowh = lax.broadcasted_iota(jnp.int32, (_H, _HM), 0)
    colh = lax.broadcasted_iota(jnp.int32, (_H, _HM), 1)
    eh_bf = (rowh == colh // _M).astype(bf16)
    rowm = lax.broadcasted_iota(jnp.int32, (_M, _HM), 0)
    colm = lax.broadcasted_iota(jnp.int32, (_M, _HM), 1)
    et_bf = (rowm == colm % _M).astype(bf16)
    ri = lax.broadcasted_iota(jnp.int32, (_HM, _HM), 0)
    ci = lax.broadcasted_iota(jnp.int32, (_HM, _HM), 1)
    tones_bf = (ri // _M == ci // _M).astype(bf16)

    hgt_bf = hgt.astype(bf16)
    hbs = []
    sc = None
    for c in range(_DIN):
        qb = jax.lax.dot(qhc_bf[:, c * _H:(c + 1) * _H], eh_bf,
                         preferred_element_type=f32)
        hb = jax.lax.dot(hgt_bf[:, c * _M:(c + 1) * _M], et_bf,
                         preferred_element_type=f32)
        hbs.append(hb.astype(bf16))
        t = qb * hb
        sc = t if sc is None else sc + t

    mx = jnp.max(sc, axis=1, keepdims=True)
    e = jnp.exp(sc - mx)
    gsum = jax.lax.dot(e.astype(bf16), tones_bf,
                       preferred_element_type=f32)
    w_bf = (e / gsum).astype(bf16)

    ctx = None
    for c in range(_DIN):
        p = w_bf * hbs[c]
        t = jax.lax.dot(p, tgg[:, c * _DIN:(c + 1) * _DIN],
                        preferred_element_type=f32)
        ctx = t if ctx is None else ctx + t

    out_ref[...] = ctx + bfc + h7


def kernel(hidden_states, q_k_mask, k_q_mask, Wq, Wk, Wv, Wfc, bfc, gamma, beta):
    del k_q_mask
    f32 = jnp.float32
    h = hidden_states.reshape(_B * _S, _DIN)
    idx_flat = q_k_mask.astype(jnp.int32).reshape(_S * _M)

    hgt_all = _sc_gather_t(hidden_states.reshape(_B * _S * _DIN), idx_flat)
    hgt2 = hgt_all.reshape(_B * _S, _GW)

    out = pl.pallas_call(
        _tc_body,
        grid=(_B,),
        in_specs=[
            pl.BlockSpec((_S, _DIN), lambda b: (b, 0)),
            pl.BlockSpec((_S, _GW), lambda b: (b, 0)),
            pl.BlockSpec((_DIN, _H * _D), lambda b: (0, 0)),
            pl.BlockSpec((_DIN, _H * _D), lambda b: (0, 0)),
            pl.BlockSpec((_DIN, _H * _D), lambda b: (0, 0)),
            pl.BlockSpec((_H * _D, _DIN), lambda b: (0, 0)),
            pl.BlockSpec((1, _DIN), lambda b: (0, 0)),
            pl.BlockSpec((1, _DIN), lambda b: (0, 0)),
            pl.BlockSpec((1, _DIN), lambda b: (0, 0)),
        ],
        out_specs=pl.BlockSpec((_S, _DIN), lambda b: (b, 0)),
        out_shape=jax.ShapeDtypeStruct((_B * _S, _DIN), f32),
    )(h, hgt2, Wq, Wk, Wv, Wfc,
      gamma.reshape(1, _DIN), beta.reshape(1, _DIN), bfc.reshape(1, _DIN))

    return out.reshape(_B, _S, _DIN)

# --- scband reference (transcript-rebuilt; emitter-appended) ---
"""Pipeline reference for scband-pyramidal-attention-37022618091570 (READ-ONLY COPY).

The authoritative reference and input builder live on the scoring server;
editing this copy changes nothing except your own understanding.
"""

import jax, jax.numpy as jnp
import numpy as np
import math

B, S, H, D, M, D_IN = 2, 2048, 8, 32, 32, 7


def _xavier(k, shape):
    lim = math.sqrt(6.0 / (shape[0] + shape[1]))
    return jax.random.uniform(k, shape, jnp.float32, -lim, lim)


def setup_inputs(seed: int = 0) -> dict:
    key = jax.random.key(seed)
    ks = jax.random.split(key, 8)
    hidden_states = jax.random.normal(ks[0], (B, S, D_IN), dtype=jnp.float32)
    q_k_mask = jax.random.randint(ks[1], (S, M), 0, S, dtype=jnp.int64)
    k_q_mask = jax.random.randint(ks[2], (S, M), 0, S, dtype=jnp.int64)
    Wq = _xavier(ks[3], (D_IN, H * D))
    Wk = _xavier(ks[4], (D_IN, H * D))
    Wv = _xavier(ks[5], (D_IN, H * D))
    Wfc = _xavier(ks[6], (H * D, D_IN))
    bfc = jnp.zeros((D_IN,), jnp.float32)
    gamma = jnp.ones((D_IN,), jnp.float32)
    beta = jnp.zeros((D_IN,), jnp.float32)
    return {"hidden_states": hidden_states, "q_k_mask": q_k_mask, "k_q_mask": k_q_mask,
            "Wq": Wq, "Wk": Wk, "Wv": Wv, "Wfc": Wfc, "bfc": bfc,
            "gamma": gamma, "beta": beta}


def _layer_norm(x, gamma, beta, eps=1e-6):
    mu = jnp.mean(x, axis=-1, keepdims=True)
    var = jnp.mean((x - mu) ** 2, axis=-1, keepdims=True)
    return (x - mu) / jnp.sqrt(var + eps) * gamma + beta


def _graph_mm(t1, t2, q_k_mask, is_t1_diagonaled, padding):
    # Faithful jax translation of graph_mm_tvm semantics (Pyraformer):
    # q_k_mask[s, m] = index of the m-th key/value row attended by query s (-1 = pad)
    mask = q_k_mask >= 0                      # [S, M]
    idx = jnp.where(mask, q_k_mask, 0)        # safe gather indices
    g = jnp.take(t2, idx, axis=1)             # [B, S, M, H, D] gathered rows
    if not is_t1_diagonaled:
        # t1: [B, S, H, D] -> scores [B, S, H, M]
        out = jnp.einsum('bshd,bsmhd->bshm', t1, g)
        out = jnp.where(mask[None, :, None, :], out, padding)
        return out
    else:
        # t1: [B, S, H, M] weights -> context [B, S, H, D]
        w = jnp.where(mask[None, :, None, :], t1, 0.0)
        return jnp.einsum('bshm,bsmhd->bshd', w, g)


def reference(hidden_states, q_k_mask, k_q_mask, Wq, Wk, Wv, Wfc, bfc, gamma, beta):
    bsz, seq_len, _ = hidden_states.shape
    residual = hidden_states
    # normalize_before=True
    q_in = _layer_norm(hidden_states, gamma, beta)
    q = (q_in @ Wq) / math.sqrt(D)
    k = hidden_states @ Wk
    v = hidden_states @ Wv
    q = q.reshape(bsz, seq_len, H, D).astype(jnp.float32)
    k = k.reshape(bsz, seq_len, H, D).astype(jnp.float32)
    attn_weights = _graph_mm(q, k, q_k_mask, False, -1000000000.0)
    attn_weights = jax.nn.softmax(attn_weights, axis=-1)
    # dropout_attn: eval mode -> identity
    v = v.reshape(bsz, seq_len, H, D).astype(jnp.float32)
    attn = _graph_mm(attn_weights, v, q_k_mask, True, 0.0)
    attn = attn.reshape(bsz, seq_len, H * D)
    context = attn @ Wfc + bfc
    # dropout_fc: eval mode -> identity
    context = context + residual
    return context

if __name__ == "__main__":
    import jax
    _d = setup_inputs()
    print(jax.jit(kernel)(*tuple(_d.values())))

</pallas_src>

<mosaic_0001>
#map = affine_map<(d0, d1) -> (0)>
module attributes {stable_mosaic.version = 14 : i64} {
  func.func @gather_kernel(%arg0: i32, %arg1: i32, %arg2: memref<28672xf32, #tpu.memory_space<hbm>>, %arg3: memref<65536xi32, #tpu.memory_space<hbm>>, %arg4: memref<1048576xf32, #tpu.memory_space<hbm>>, %arg5: memref<4096xi32, #tpu.memory_space<vmem>>, %arg6: memref<14336xf32, #tpu.memory_space<vmem>>, %arg7: memref<32768xf32, #tpu.memory_space<vmem>>) attributes {dimension_semantics = [#tpu.dimension_semantics<core_parallel>, #tpu.dimension_semantics<subcore_parallel>], iteration_bounds = array<i64: 2, 16>, scalar_prefetch = 0 : i64, scratch_operands = 3 : i64, tpu.core_type = #tpu.core_type<sc_vector_subcore>, window_params = [{transform_indices = #map}, {transform_indices = #map}, {transform_indices = #map}]} {
    %mul3A = arith.constant 2 : i32
    %mul3A_0 = arith.muli %arg1, %mul3A : i32
    %add3A = arith.addi %mul3A_0, %arg0 : i32
    %jit3A = arith.constant 16 : i32
    %div3A = arith.divsi %add3A, %jit3A : i32
    %sign3A = arith.constant 0 : i32
    %sign3A_1 = arith.cmpi sgt, %add3A, %sign3A : i32
    %sign3A_2 = arith.extui %sign3A_1 : i1 to i32
    %sign3A_3 = arith.constant 0 : i32
    %sign3A_4 = arith.cmpi slt, %add3A, %sign3A_3 : i32
    %sign3A_5 = arith.extui %sign3A_4 : i1 to i32
    %sign3A_6 = arith.subi %sign3A_2, %sign3A_5 : i32
    %sign3A_7 = arith.constant 0 : i32
    %sign3A_8 = arith.cmpi sgt, %jit3A, %sign3A_7 : i32
    %sign3A_9 = arith.extui %sign3A_8 : i1 to i32
    %sign3A_10 = arith.constant 0 : i32
    %sign3A_11 = arith.cmpi slt, %jit3A, %sign3A_10 : i32
    %sign3A_12 = arith.extui %sign3A_11 : i1 to i32
    %sign3A_13 = arith.subi %sign3A_9, %sign3A_12 : i32
    %ne3A = arith.cmpi ne, %sign3A_6, %sign3A_13 : i32
    %rem3A = arith.remsi %add3A, %jit3A : i32
    %ne3A_14 = arith.constant 0 : i32
    %ne3A_15 = arith.cmpi ne, %rem3A, %ne3A_14 : i32
    %and3A = arith.andi %ne3A, %ne3A_15 : i1
    %sub3A = arith.constant 1 : i32
    %sub3A_16 = arith.subi %div3A, %sub3A : i32
    %select_n3A = arith.select %and3A, %sub3A_16, %div3A : i32
    %jit3A_17 = arith.constant 16 : i32
    %eq3A = arith.constant 0 : i32
    %eq3A_18 = arith.cmpi eq, %jit3A_17, %eq3A : i32
    %jit3A_19 = arith.constant 1 : i32
    %select_n3A_20 = arith.select %eq3A_18, %jit3A_19, %jit3A_17 : i32
    %rem3A_21 = arith.remsi %add3A, %select_n3A_20 : i32
    %ne3A_22 = arith.constant 0 : i32
    %ne3A_23 = arith.cmpi ne, %rem3A_21, %ne3A_22 : i32
    %lt3A = arith.constant 0 : i32
    %lt3A_24 = arith.cmpi slt, %rem3A_21, %lt3A : i32
    %lt3A_25 = arith.constant 0 : i32
    %lt3A_26 = arith.cmpi slt, %select_n3A_20, %lt3A_25 : i32
    %ne3A_27 = arith.xori %lt3A_24, %lt3A_26 : i1
    %and3A_28 = arith.andi %ne3A_27, %ne3A_23 : i1
    %add3A_29 = arith.addi %rem3A_21, %select_n3A_20 : i32
    %select_n3A_30 = arith.select %and3A_28, %add3A_29, %rem3A_21 : i32
    %mul3A_31 = arith.constant 4096 : i32
    %mul3A_32 = arith.muli %select_n3A_30, %mul3A_31 : i32
    "tpu.region"() ({
      %run_scoped3A = tpu.sem_alloc : memref<!tpu.dma_semaphore, #tpu.memory_space<semaphore_mem>>
      %dma_start3A = tpu.memref_slice %arg3[%mul3A_32] : memref<65536xi32, #tpu.memory_space<hbm>> -> memref<4096xi32, #tpu.memory_space<hbm>>
      %dma_start3A_41 = tpu.memref_slice %arg3[%mul3A_32] : memref<65536xi32, #tpu.memory_space<hbm>> -> memref<4096xi32, #tpu.memory_space<hbm>>
      tpu.enqueue_dma source(%dma_start3A_41 : memref<4096xi32, #tpu.memory_space<hbm>>) target(%arg5 : memref<4096xi32, #tpu.memory_space<vmem>>) target_semaphore(%run_scoped3A : memref<!tpu.dma_semaphore, #tpu.memory_space<semaphore_mem>>)
      %dma_wait3A = tpu.memref_slice %arg3[%mul3A_32] : memref<65536xi32, #tpu.memory_space<hbm>> -> memref<4096xi32, #tpu.memory_space<hbm>>
      %dma_wait3A_42 = tpu.memref_slice %arg3[%mul3A_32] : memref<65536xi32, #tpu.memory_space<hbm>> -> memref<4096xi32, #tpu.memory_space<hbm>>
      tpu.wait_dma2 semaphore(%run_scoped3A : memref<!tpu.dma_semaphore, #tpu.memory_space<semaphore_mem>>) src(%dma_wait3A_42 : memref<4096xi32, #tpu.memory_space<hbm>>) dst(%arg5 : memref<4096xi32, #tpu.memory_space<vmem>>)
      tpu.yield
    }) : () -> ()
    %mul3A_33 = arith.constant 14336 : i32
    %mul3A_34 = arith.muli %select_n3A, %mul3A_33 : i32
    "tpu.region"() ({
      %run_scoped3A = tpu.sem_alloc : memref<!tpu.dma_semaphore, #tpu.memory_space<semaphore_mem>>
      %dma_start3A = tpu.memref_slice %arg2[%mul3A_34] : memref<28672xf32, #tpu.memory_space<hbm>> -> memref<14336xf32, #tpu.memory_space<hbm>>
      %dma_start3A_41 = tpu.memref_slice %arg2[%mul3A_34] : memref<28672xf32, #tpu.memory_space<hbm>> -> memref<14336xf32, #tpu.memory_space<hbm>>
      tpu.enqueue_dma source(%dma_start3A_41 : memref<14336xf32, #tpu.memory_space<hbm>>) target(%arg6 : memref<14336xf32, #tpu.memory_space<vmem>>) target_semaphore(%run_scoped3A : memref<!tpu.dma_semaphore, #tpu.memory_space<semaphore_mem>>)
      %dma_wait3A = tpu.memref_slice %arg2[%mul3A_34] : memref<28672xf32, #tpu.memory_space<hbm>> -> memref<14336xf32, #tpu.memory_space<hbm>>
      %dma_wait3A_42 = tpu.memref_slice %arg2[%mul3A_34] : memref<28672xf32, #tpu.memory_space<hbm>> -> memref<14336xf32, #tpu.memory_space<hbm>>
      tpu.wait_dma2 semaphore(%run_scoped3A : memref<!tpu.dma_semaphore, #tpu.memory_space<semaphore_mem>>) src(%dma_wait3A_42 : memref<14336xf32, #tpu.memory_space<hbm>>) dst(%arg6 : memref<14336xf32, #tpu.memory_space<vmem>>)
      tpu.yield
    }) : () -> ()
    %parallel_loop3A = arith.constant 0 : i32
    %parallel_loop3A_35 = arith.constant 128 : i32
    %parallel_loop3A_36 = arith.constant 1 : i32
    scf.for %parallel_loop3A_41 = %parallel_loop3A to %parallel_loop3A_35 step %parallel_loop3A_36  : i32 {
      %parallel_loop3A_42 = arith.constant 32 : i32
      %parallel_loop3A_43 = arith.muli %parallel_loop3A_41, %parallel_loop3A_42 : i32
      %parallel_loop3A_44 = arith.constant 0 : i32
      %parallel_loop3A_45 = arith.addi %parallel_loop3A_43, %parallel_loop3A_44 : i32
      %parallel_loop3A_46 = arith.index_cast %parallel_loop3A_45 : i32 to index
      %parallel_loop3A_47 = tpu.vector_load %arg5[%parallel_loop3A_46] {strides = array<i32>} : memref<4096xi32, #tpu.memory_space<vmem>>, vector<16xi32>,
      %parallel_loop3A_48 = arith.constant 7 : i32
      %parallel_loop3A_49 = vector.broadcast %parallel_loop3A_48 : i32 to vector<16xi32>
      %parallel_loop3A_50 = arith.muli %parallel_loop3A_47, %parallel_loop3A_49 : vector<16xi32>
      %parallel_loop3A_51 = arith.constant 0 : i32
      %parallel_loop3A_52 = vector.broadcast %parallel_loop3A_51 : i32 to vector<16xi32>
      %parallel_loop3A_53 = arith.addi %parallel_loop3A_50, %parallel_loop3A_52 : vector<16xi32>
      %parallel_loop3A_54 = tpu.vector_load_idx %arg6[%parallel_loop3A_53] : memref<14336xf32, #tpu.memory_space<vmem>>[vector<16xi32>], vector<16xf32>,
      %parallel_loop3A_55 = arith.constant 256 : i32
      %parallel_loop3A_56 = arith.muli %parallel_loop3A_41, %parallel_loop3A_55 : i32
      %parallel_loop3A_57 = arith.constant 0 : i32
      %parallel_loop3A_58 = arith.addi %parallel_loop3A_56, %parallel_loop3A_57 : i32
      %parallel_loop3A_59 = arith.constant 0 : i32
      %parallel_loop3A_60 = arith.addi %parallel_loop3A_58, %parallel_loop3A_59 : i32
      %parallel_loop3A_61 = arith.index_cast %parallel_loop3A_60 : i32 to index
      %parallel_loop3A_62 = tpu.vector_load %arg7[%parallel_loop3A_61] {strides = array<i32>} : memref<32768xf32, #tpu.memory_space<vmem>>, vector<16xf32>,
      tpu.vector_store %arg7[%parallel_loop3A_61], %parallel_loop3A_54 {strides = array<i32>} : memref<32768xf32, #tpu.memory_space<vmem>>, vector<16xf32>,
      %parallel_loop3A_63 = arith.constant 1 : i32
      %parallel_loop3A_64 = vector.broadcast %parallel_loop3A_63 : i32 to vector<16xi32>
      %parallel_loop3A_65 = arith.addi %parallel_loop3A_50, %parallel_loop3A_64 : vector<16xi32>
      %parallel_loop3A_66 = tpu.vector_load_idx %arg6[%parallel_loop3A_65] : memref<14336xf32, #tpu.memory_space<vmem>>[vector<16xi32>], vector<16xf32>,
      %parallel_loop3A_67 = arith.constant 256 : i32
      %parallel_loop3A_68 = arith.muli %parallel_loop3A_41, %parallel_loop3A_67 : i32
      %parallel_loop3A_69 = arith.constant 32 : i32
      %parallel_loop3A_70 = arith.addi %parallel_loop3A_68, %parallel_loop3A_69 : i32
      %parallel_loop3A_71 = arith.constant 0 : i32
      %parallel_loop3A_72 = arith.addi %parallel_loop3A_70, %parallel_loop3A_71 : i32
      %parallel_loop3A_73 = arith.index_cast %parallel_loop3A_72 : i32 to index
      %parallel_loop3A_74 = tpu.vector_load %arg7[%parallel_loop3A_73] {strides = array<i32>} : memref<32768xf32, #tpu.memory_space<vmem>>, vector<16xf32>,
      tpu.vector_store %arg7[%parallel_loop3A_73], %parallel_loop3A_66 {strides = array<i32>} : memref<32768xf32, #tpu.memory_space<vmem>>, vector<16xf32>,
      %parallel_loop3A_75 = arith.constant 2 : i32
      %parallel_loop3A_76 = vector.broadcast %parallel_loop3A_75 : i32 to vector<16xi32>
      %parallel_loop3A_77 = arith.addi %parallel_loop3A_50, %parallel_loop3A_76 : vector<16xi32>
      %parallel_loop3A_78 = tpu.vector_load_idx %arg6[%parallel_loop3A_77] : memref<14336xf32, #tpu.memory_space<vmem>>[vector<16xi32>], vector<16xf32>,
      %parallel_loop3A_79 = arith.constant 256 : i32
      %parallel_loop3A_80 = arith.muli %parallel_loop3A_41, %parallel_loop3A_79 : i32
      %parallel_loop3A_81 = arith.constant 64 : i32
      %parallel_loop3A_82 = arith.addi %parallel_loop3A_80, %parallel_loop3A_81 : i32
      %parallel_loop3A_83 = arith.constant 0 : i32
      %parallel_loop3A_84 = arith.addi %parallel_loop3A_82, %parallel_loop3A_83 : i32
      %parallel_loop3A_85 = arith.index_cast %parallel_loop3A_84 : i32 to index
      %parallel_loop3A_86 = tpu.vector_load %arg7[%parallel_loop3A_85] {strides = array<i32>} : memref<32768xf32, #tpu.memory_space<vmem>>, vector<16xf32>,
      tpu.vector_store %arg7[%parallel_loop3A_85], %parallel_loop3A_78 {strides = array<i32>} : memref<32768xf32, #tpu.memory_space<vmem>>, vector<16xf32>,
      %parallel_loop3A_87 = arith.constant 3 : i32
      %parallel_loop3A_88 = vector.broadcast %parallel_loop3A_87 : i32 to vector<16xi32>
      %parallel_loop3A_89 = arith.addi %parallel_loop3A_50, %parallel_loop3A_88 : vector<16xi32>
      %parallel_loop3A_90 = tpu.vector_load_idx %arg6[%parallel_loop3A_89] : memref<14336xf32, #tpu.memory_space<vmem>>[vector<16xi32>], vector<16xf32>,
      %parallel_loop3A_91 = arith.constant 256 : i32
      %parallel_loop3A_92 = arith.muli %parallel_loop3A_41, %parallel_loop3A_91 : i32
      %parallel_loop3A_93 = arith.constant 96 : i32
      %parallel_loop3A_94 = arith.addi %parallel_loop3A_92, %parallel_loop3A_93 : i32
      %parallel_loop3A_95 = arith.constant 0 : i32
      %parallel_loop3A_96 = arith.addi %parallel_loop3A_94, %parallel_loop3A_95 : i32
      %parallel_loop3A_97 = arith.index_cast %parallel_loop3A_96 : i32 to index
      %parallel_loop3A_98 = tpu.vector_load %arg7[%parallel_loop3A_97] {strides = array<i32>} : memref<32768xf32, #tpu.memory_space<vmem>>, vector<16xf32>,
      tpu.vector_store %arg7[%parallel_loop3A_97], %parallel_loop3A_90 {strides = array<i32>} : memref<32768xf32, #tpu.memory_space<vmem>>, vector<16xf32>,
      %parallel_loop3A_99 = arith.constant 4 : i32
      %parallel_loop3A_100 = vector.broadcast %parallel_loop3A_99 : i32 to vector<16xi32>
      %parallel_loop3A_101 = arith.addi %parallel_loop3A_50, %parallel_loop3A_100 : vector<16xi32>
      %parallel_loop3A_102 = tpu.vector_load_idx %arg6[%parallel_loop3A_101] : memref<14336xf32, #tpu.memory_space<vmem>>[vector<16xi32>], vector<16xf32>,
      %parallel_loop3A_103 = arith.constant 256 : i32
      %parallel_loop3A_104 = arith.muli %parallel_loop3A_41, %parallel_loop3A_103 : i32
      %parallel_loop3A_105 = arith.constant 128 : i32
      %parallel_loop3A_106 = arith.addi %parallel_loop3A_104, %parallel_loop3A_105 : i32
      %parallel_loop3A_107 = arith.constant 0 : i32
      %parallel_loop3A_108 = arith.addi %parallel_loop3A_106, %parallel_loop3A_107 : i32
      %parallel_loop3A_109 = arith.index_cast %parallel_loop3A_108 : i32 to index
      %parallel_loop3A_110 = tpu.vector_load %arg7[%parallel_loop3A_109] {strides = array<i32>} : memref<32768xf32, #tpu.memory_space<vmem>>, vector<16xf32>,
      tpu.vector_store %arg7[%parallel_loop3A_109], %parallel_loop3A_102 {strides = array<i32>} : memref<32768xf32, #tpu.memory_space<vmem>>, vector<16xf32>,
      %parallel_loop3A_111 = arith.constant 5 : i32
      %parallel_loop3A_112 = vector.broadcast %parallel_loop3A_111 : i32 to vector<16xi32>
      %parallel_loop3A_113 = arith.addi %parallel_loop3A_50, %parallel_loop3A_112 : vector<16xi32>
      %parallel_loop3A_114 = tpu.vector_load_idx %arg6[%parallel_loop3A_113] : memref<14336xf32, #tpu.memory_space<vmem>>[vector<16xi32>], vector<16xf32>,
      %parallel_loop3A_115 = arith.constant 256 : i32
      %parallel_loop3A_116 = arith.muli %parallel_loop3A_41, %parallel_loop3A_115 : i32
      %parallel_loop3A_117 = arith.constant 160 : i32
      %parallel_loop3A_118 = arith.addi %parallel_loop3A_116, %parallel_loop3A_117 : i32
      %parallel_loop3A_119 = arith.constant 0 : i32
      %parallel_loop3A_120 = arith.addi %parallel_loop3A_118, %parallel_loop3A_119 : i32
      %parallel_loop3A_121 = arith.index_cast %parallel_loop3A_120 : i32 to index
      %parallel_loop3A_122 = tpu.vector_load %arg7[%parallel_loop3A_121] {strides = array<i32>} : memref<32768xf32, #tpu.memory_space<vmem>>, vector<16xf32>,
      tpu.vector_store %arg7[%parallel_loop3A_121], %parallel_loop3A_114 {strides = array<i32>} : memref<32768xf32, #tpu.memory_space<vmem>>, vector<16xf32>,
      %parallel_loop3A_123 = arith.constant 6 : i32
      %parallel_loop3A_124 = vector.broadcast %parallel_loop3A_123 : i32 to vector<16xi32>
      %parallel_loop3A_125 = arith.addi %parallel_loop3A_50, %parallel_loop3A_124 : vector<16xi32>
      %parallel_loop3A_126 = tpu.vector_load_idx %arg6[%parallel_loop3A_125] : memref<14336xf32, #tpu.memory_space<vmem>>[vector<16xi32>], vector<16xf32>,
      %parallel_loop3A_127 = arith.constant 256 : i32
      %parallel_loop3A_128 = arith.muli %parallel_loop3A_41, %parallel_loop3A_127 : i32
      %parallel_loop3A_129 = arith.constant 192 : i32
      %parallel_loop3A_130 = arith.addi %parallel_loop3A_128, %parallel_loop3A_129 : i32
      %parallel_loop3A_131 = arith.constant 0 : i32
      %parallel_loop3A_132 = arith.addi %parallel_loop3A_130, %parallel_loop3A_131 : i32
      %parallel_loop3A_133 = arith.index_cast %parallel_loop3A_132 : i32 to index
      %parallel_loop3A_134 = tpu.vector_load %arg7[%parallel_loop3A_133] {strides = array<i32>} : memref<32768xf32, #tpu.memory_space<vmem>>, vector<16xf32>,
      tpu.vector_store %arg7[%parallel_loop3A_133], %parallel_loop3A_126 {strides = array<i32>} : memref<32768xf32, #tpu.memory_space<vmem>>, vector<16xf32>,
      %parallel_loop3A_135 = arith.constant 32 : i32
      %parallel_loop3A_136 = arith.muli %parallel_loop3A_41, %parallel_loop3A_135 : i32
      %parallel_loop3A_137 = arith.constant 16 : i32
      %parallel_loop3A_138 = arith.addi %parallel_loop3A_136, %parallel_loop3A_137 : i32
      %parallel_loop3A_139 = arith.index_cast %parallel_loop3A_138 : i32 to index
      %parallel_loop3A_140 = tpu.vector_load %arg5[%parallel_loop3A_139] {strides = array<i32>} : memref<4096xi32, #tpu.memory_space<vmem>>, vector<16xi32>,
      %parallel_loop3A_141 = arith.constant 7 : i32
      %parallel_loop3A_142 = vector.broadcast %parallel_loop3A_141 : i32 to vector<16xi32>
      %parallel_loop3A_143 = arith.muli %parallel_loop3A_140, %parallel_loop3A_142 : vector<16xi32>
      %parallel_loop3A_144 = arith.constant 0 : i32
      %parallel_loop3A_145 = vector.broadcast %parallel_loop3A_144 : i32 to vector<16xi32>
      %parallel_loop3A_146 = arith.addi %parallel_loop3A_143, %parallel_loop3A_145 : vector<16xi32>
      %parallel_loop3A_147 = tpu.vector_load_idx %arg6[%parallel_loop3A_146] : memref<14336xf32, #tpu.memory_space<vmem>>[vector<16xi32>], vector<16xf32>,
      %parallel_loop3A_148 = arith.constant 256 : i32
      %parallel_loop3A_149 = arith.muli %parallel_loop3A_41, %parallel_loop3A_148 : i32
      %parallel_loop3A_150 = arith.constant 0 : i32
      %parallel_loop3A_151 = arith.addi %parallel_loop3A_149, %parallel_loop3A_150 : i32
      %parallel_loop3A_152 = arith.constant 16 : i32
      %parallel_loop3A_153 = arith.addi %parallel_loop3A_151, %parallel_loop3A_152 : i32
      %parallel_loop3A_154 = arith.index_cast %parallel_loop3A_153 : i32 to index
      %parallel_loop3A_155 = tpu.vector_load %arg7[%parallel_loop3A_154] {strides = array<i32>} : memref<32768xf32, #tpu.memory_space<vmem>>, vector<16xf32>,
      tpu.vector_store %arg7[%parallel_loop3A_154], %parallel_loop3A_147 {strides = array<i32>} : memref<32768xf32, #tpu.memory_space<vmem>>, vector<16xf32>,
      %parallel_loop3A_156 = arith.constant 1 : i32
      %parallel_loop3A_157 = vector.broadcast %parallel_loop3A_156 : i32 to vector<16xi32>
      %parallel_loop3A_158 = arith.addi %parallel_loop3A_143, %parallel_loop3A_157 : vector<16xi32>
      %parallel_loop3A_159 = tpu.vector_load_idx %arg6[%parallel_loop3A_158] : memref<14336xf32, #tpu.memory_space<vmem>>[vector<16xi32>], vector<16xf32>,
      %parallel_loop3A_160 = arith.constant 256 : i32
      %parallel_loop3A_161 = arith.muli %parallel_loop3A_41, %parallel_loop3A_160 : i32
      %parallel_loop3A_162 = arith.constant 32 : i32
      %parallel_loop3A_163 = arith.addi %parallel_loop3A_161, %parallel_loop3A_162 : i32
      %parallel_loop3A_164 = arith.constant 16 : i32
      %parallel_loop3A_165 = arith.addi %parallel_loop3A_163, %parallel_loop3A_164 : i32
      %parallel_loop3A_166 = arith.index_cast %parallel_loop3A_165 : i32 to index
      %parallel_loop3A_167 = tpu.vector_load %arg7[%parallel_loop3A_166] {strides = array<i32>} : memref<32768xf32, #tpu.memory_space<vmem>>, vector<16xf32>,
      tpu.vector_store %arg7[%parallel_loop3A_166], %parallel_loop3A_159 {strides = array<i32>} : memref<32768xf32, #tpu.memory_space<vmem>>, vector<16xf32>,
      %parallel_loop3A_168 = arith.constant 2 : i32
      %parallel_loop3A_169 = vector.broadcast %parallel_loop3A_168 : i32 to vector<16xi32>
      %parallel_loop3A_170 = arith.addi %parallel_loop3A_143, %parallel_loop3A_169 : vector<16xi32>
      %parallel_loop3A_171 = tpu.vector_load_idx %arg6[%parallel_loop3A_170] : memref<14336xf32, #tpu.memory_space<vmem>>[vector<16xi32>], vector<16xf32>,
      %parallel_loop3A_172 = arith.constant 256 : i32
      %parallel_loop3A_173 = arith.muli %parallel_loop3A_41, %parallel_loop3A_172 : i32
      %parallel_loop3A_174 = arith.constant 64 : i32
      %parallel_loop3A_175 = arith.addi %parallel_loop3A_173, %parallel_loop3A_174 : i32
      %parallel_loop3A_176 = arith.constant 16 : i32
      %parallel_loop3A_177 = arith.addi %parallel_loop3A_175, %parallel_loop3A_176 : i32
      %parallel_loop3A_178 = arith.index_cast %parallel_loop3A_177 : i32 to index
      %parallel_loop3A_179 = tpu.vector_load %arg7[%parallel_loop3A_178] {strides = array<i32>} : memref<32768xf32, #tpu.memory_space<vmem>>, vector<16xf32>,
      tpu.vector_store %arg7[%parallel_loop3A_178], %parallel_loop3A_171 {strides = array<i32>} : memref<32768xf32, #tpu.memory_space<vmem>>, vector<16xf32>,
      %parallel_loop3A_180 = arith.constant 3 : i32
      %parallel_loop3A_181 = vector.broadcast %parallel_loop3A_180 : i32 to vector<16xi32>
      %parallel_loop3A_182 = arith.addi %parallel_loop3A_143, %parallel_loop3A_181 : vector<16xi32>
      %parallel_loop3A_183 = tpu.vector_load_idx %arg6[%parallel_loop3A_182] : memref<14336xf32, #tpu.memory_space<vmem>>[vector<16xi32>], vector<16xf32>,
      %parallel_loop3A_184 = arith.constant 256 : i32
      %parallel_loop3A_185 = arith.muli %parallel_loop3A_41, %parallel_loop3A_184 : i32
      %parallel_loop3A_186 = arith.constant 96 : i32
      %parallel_loop3A_187 = arith.addi %parallel_loop3A_185, %parallel_loop3A_186 : i32
      %parallel_loop3A_188 = arith.constant 16 : i32
      %parallel_loop3A_189 = arith.addi %parallel_loop3A_187, %parallel_loop3A_188 : i32
      %parallel_loop3A_190 = arith.index_cast %parallel_loop3A_189 : i32 to index
      %parallel_loop3A_191 = tpu.vector_load %arg7[%parallel_loop3A_190] {strides = array<i32>} : memref<32768xf32, #tpu.memory_space<vmem>>, vector<16xf32>,
      tpu.vector_store %arg7[%parallel_loop3A_190], %parallel_loop3A_183 {strides = array<i32>} : memref<32768xf32, #tpu.memory_space<vmem>>, vector<16xf32>,
      %parallel_loop3A_192 = arith.constant 4 : i32
      %parallel_loop3A_193 = vector.broadcast %parallel_loop3A_192 : i32 to vector<16xi32>
      %parallel_loop3A_194 = arith.addi %parallel_loop3A_143, %parallel_loop3A_193 : vector<16xi32>
      %parallel_loop3A_195 = tpu.vector_load_idx %arg6[%parallel_loop3A_194] : memref<14336xf32, #tpu.memory_space<vmem>>[vector<16xi32>], vector<16xf32>,
      %parallel_loop3A_196 = arith.constant 256 : i32
      %parallel_loop3A_197 = arith.muli %parallel_loop3A_41, %parallel_loop3A_196 : i32
      %parallel_loop3A_198 = arith.constant 128 : i32
      %parallel_loop3A_199 = arith.addi %parallel_loop3A_197, %parallel_loop3A_198 : i32
      %parallel_loop3A_200 = arith.constant 16 : i32
      %parallel_loop3A_201 = arith.addi %parallel_loop3A_199, %parallel_loop3A_200 : i32
      %parallel_loop3A_202 = arith.index_cast %parallel_loop3A_201 : i32 to index
      %parallel_loop3A_203 = tpu.vector_load %arg7[%parallel_loop3A_202] {strides = array<i32>} : memref<32768xf32, #tpu.memory_space<vmem>>, vector<16xf32>,
      tpu.vector_store %arg7[%parallel_loop3A_202], %parallel_loop3A_195 {strides = array<i32>} : memref<32768xf32, #tpu.memory_space<vmem>>, vector<16xf32>,
      %parallel_loop3A_204 = arith.constant 5 : i32
      %parallel_loop3A_205 = vector.broadcast %parallel_loop3A_204 : i32 to vector<16xi32>
      %parallel_loop3A_206 = arith.addi %parallel_loop3A_143, %parallel_loop3A_205 : vector<16xi32>
      %parallel_loop3A_207 = tpu.vector_load_idx %arg6[%parallel_loop3A_206] : memref<14336xf32, #tpu.memory_space<vmem>>[vector<16xi32>], vector<16xf32>,
      %parallel_loop3A_208 = arith.constant 256 : i32
      %parallel_loop3A_209 = arith.muli %parallel_loop3A_41, %parallel_loop3A_208 : i32
      %parallel_loop3A_210 = arith.constant 160 : i32
      %parallel_loop3A_211 = arith.addi %parallel_loop3A_209, %parallel_loop3A_210 : i32
      %parallel_loop3A_212 = arith.constant 16 : i32
      %parallel_loop3A_213 = arith.addi %parallel_loop3A_211, %parallel_loop3A_212 : i32
      %parallel_loop3A_214 = arith.index_cast %parallel_loop3A_213 : i32 to index
      %parallel_loop3A_215 = tpu.vector_load %arg7[%parallel_loop3A_214] {strides = array<i32>} : memref<32768xf32, #tpu.memory_space<vmem>>, vector<16xf32>,
      tpu.vector_store %arg7[%parallel_loop3A_214], %parallel_loop3A_207 {strides = array<i32>} : memref<32768xf32, #tpu.memory_space<vmem>>, vector<16xf32>,
      %parallel_loop3A_216 = arith.constant 6 : i32
      %parallel_loop3A_217 = vector.broadcast %parallel_loop3A_216 : i32 to vector<16xi32>
      %parallel_loop3A_218 = arith.addi %parallel_loop3A_143, %parallel_loop3A_217 : vector<16xi32>
      %parallel_loop3A_219 = tpu.vector_load_idx %arg6[%parallel_loop3A_218] : memref<14336xf32, #tpu.memory_space<vmem>>[vector<16xi32>], vector<16xf32>,
      %parallel_loop3A_220 = arith.constant 256 : i32
      %parallel_loop3A_221 = arith.muli %parallel_loop3A_41, %parallel_loop3A_220 : i32
      %parallel_loop3A_222 = arith.constant 192 : i32
      %parallel_loop3A_223 = arith.addi %parallel_loop3A_221, %parallel_loop3A_222 : i32
      %parallel_loop3A_224 = arith.constant 16 : i32
      %parallel_loop3A_225 = arith.addi %parallel_loop3A_223, %parallel_loop3A_224 : i32
      %parallel_loop3A_226 = arith.index_cast %parallel_loop3A_225 : i32 to index
      %parallel_loop3A_227 = tpu.vector_load %arg7[%parallel_loop3A_226] {strides = array<i32>} : memref<32768xf32, #tpu.memory_space<vmem>>, vector<16xf32>,
      tpu.vector_store %arg7[%parallel_loop3A_226], %parallel_loop3A_219 {strides = array<i32>} : memref<32768xf32, #tpu.memory_space<vmem>>, vector<16xf32>,
    } {sc.loop_unroll_factor = 4 : i64, sc.parallel_access}
    %mul3A_37 = arith.constant 128 : i32
    %mul3A_38 = arith.muli %add3A, %mul3A_37 : i32
    %mul3A_39 = arith.constant 256 : i32
    %mul3A_40 = arith.muli %mul3A_38, %mul3A_39 : i32
    "tpu.region"() ({
      %run_scoped3A = tpu.sem_alloc : memref<!tpu.dma_semaphore, #tpu.memory_space<semaphore_mem>>
      %dma_start3A = tpu.memref_slice %arg4[%mul3A_40] : memref<1048576xf32, #tpu.memory_space<hbm>> -> memref<32768xf32, #tpu.memory_space<hbm>>
      %dma_start3A_41 = tpu.memref_slice %arg4[%mul3A_40] : memref<1048576xf32, #tpu.memory_space<hbm>> -> memref<32768xf32, #tpu.memory_space<hbm>>
      tpu.enqueue_dma source(%arg7 : memref<32768xf32, #tpu.memory_space<vmem>>) target(%dma_start3A_41 : memref<32768xf32, #tpu.memory_space<hbm>>) target_semaphore(%run_scoped3A : memref<!tpu.dma_semaphore, #tpu.memory_space<semaphore_mem>>)
      %dma_wait3A = tpu.memref_slice %arg4[%mul3A_40] : memref<1048576xf32, #tpu.memory_space<hbm>> -> memref<32768xf32, #tpu.memory_space<hbm>>
      %dma_wait3A_42 = tpu.memref_slice %arg4[%mul3A_40] : memref<1048576xf32, #tpu.memory_space<hbm>> -> memref<32768xf32, #tpu.memory_space<hbm>>
      tpu.wait_dma2 semaphore(%run_scoped3A : memref<!tpu.dma_semaphore, #tpu.memory_space<semaphore_mem>>) src(%arg7 : memref<32768xf32, #tpu.memory_space<vmem>>) dst(%dma_wait3A_42 : memref<32768xf32, #tpu.memory_space<hbm>>)
      tpu.yield
    }) : () -> ()
    return
  }
}

module attributes {stable_mosaic.version = 14 : i64} {
  func.func @_tc_body(%arg0: i32, %arg1: memref<2048x7xf32, #tpu.memory_space<vmem>>, %arg2: memref<2048x256xf32, #tpu.memory_space<vmem>>, %arg3: memref<7x256xf32, #tpu.memory_space<vmem>>, %arg4: memref<7x256xf32, #tpu.memory_space<vmem>>, %arg5: memref<7x256xf32, #tpu.memory_space<vmem>>, %arg6: memref<256x7xf32, #tpu.memory_space<vmem>>, %arg7: memref<1x7xf32, #tpu.memory_space<vmem>>, %arg8: memref<1x7xf32, #tpu.memory_space<vmem>>, %arg9: memref<1x7xf32, #tpu.memory_space<vmem>>, %arg10: memref<2048x7xf32, #tpu.memory_space<vmem>>) attributes {dimension_semantics = [#tpu.dimension_semantics<arbitrary>], iteration_bounds = array<i64: 2>, scalar_prefetch = 0 : i64, scratch_operands = 0 : i64, tpu.core_type = #tpu.core_type<tc>, window_params = [{transform_indices = @transform_0, window_bounds = array<i64: 2048, 7>}, {transform_indices = @transform_1, window_bounds = array<i64: 2048, 256>}, {pipeline_mode = #tpu.pipeline_mode<synchronous>, transform_indices = @transform_2, window_bounds = array<i64: 7, 256>}, {pipeline_mode = #tpu.pipeline_mode<synchronous>, transform_indices = @transform_3, window_bounds = array<i64: 7, 256>}, {pipeline_mode = #tpu.pipeline_mode<synchronous>, transform_indices = @transform_4, window_bounds = array<i64: 7, 256>}, {pipeline_mode = #tpu.pipeline_mode<synchronous>, transform_indices = @transform_5, window_bounds = array<i64: 256, 7>}, {pipeline_mode = #tpu.pipeline_mode<synchronous>, transform_indices = @transform_6, window_bounds = array<i64: 1, 7>}, {pipeline_mode = #tpu.pipeline_mode<synchronous>, transform_indices = @transform_7, window_bounds = array<i64: 1, 7>}, {pipeline_mode = #tpu.pipeline_mode<synchronous>, transform_indices = @transform_8, window_bounds = array<i64: 1, 7>}, {transform_indices = @transform_9, window_bounds = array<i64: 2048, 7>}]} {
    %get3A = arith.constant 0 : index
    %get3A_0 = arith.constant 0 : index
    %get3A_1 = vector.load %arg1[%get3A, %get3A_0] : memref<2048x7xf32, #tpu.memory_space<vmem>>, vector<2048x7xf32>
    %get3A_2 = arith.constant 0 : index
    %get3A_3 = arith.constant 0 : index
    %get3A_4 = vector.load %arg2[%get3A_2, %get3A_3] : memref<2048x256xf32, #tpu.memory_space<vmem>>, vector<2048x256xf32>
    %get3A_5 = arith.constant 0 : index
    %get3A_6 = arith.constant 0 : index
    %get3A_7 = vector.load %arg7[%get3A_5, %get3A_6] : memref<1x7xf32, #tpu.memory_space<vmem>>, vector<1x7xf32>
    %get3A_8 = arith.constant 0 : index
    %get3A_9 = arith.constant 0 : index
    %get3A_10 = vector.load %arg8[%get3A_8, %get3A_9] : memref<1x7xf32, #tpu.memory_space<vmem>>, vector<1x7xf32>
    %get3A_11 = arith.constant 0 : index
    %get3A_12 = arith.constant 0 : index
    %get3A_13 = vector.load %arg9[%get3A_11, %get3A_12] : memref<1x7xf32, #tpu.memory_space<vmem>>, vector<1x7xf32>
    %reduce_sum3A = arith.constant dense<0.000000e+00> : vector<2048xf32>
    %reduce_sum3A_14 = vector.multi_reduction <add>, %get3A_1, %reduce_sum3A [1] : vector<2048x7xf32> to vector<2048xf32>
    %broadcast_in_dim3A = vector.shape_cast %reduce_sum3A_14 : vector<2048xf32> to vector<2048x1xf32>
    %mul3A = arith.constant 0.142857149 : f32
    %mul3A_15 = vector.broadcast %mul3A : f32 to vector<2048x1xf32>
    %mul3A_16 = arith.mulf %broadcast_in_dim3A, %mul3A_15 : vector<2048x1xf32>
    %sub3A = vector.broadcast %mul3A_16 : vector<2048x1xf32> to vector<2048x7xf32>
    %sub3A_17 = arith.subf %get3A_1, %sub3A : vector<2048x7xf32>
    %mul3A_18 = arith.mulf %sub3A_17, %sub3A_17 : vector<2048x7xf32>
    %reduce_sum3A_19 = arith.constant dense<0.000000e+00> : vector<2048xf32>
    %reduce_sum3A_20 = vector.multi_reduction <add>, %mul3A_18, %reduce_sum3A_19 [1] : vector<2048x7xf32> to vector<2048xf32>
    %broadcast_in_dim3A_21 = vector.shape_cast %reduce_sum3A_20 : vector<2048xf32> to vector<2048x1xf32>
    %mul3A_22 = arith.constant 0.142857149 : f32
    %mul3A_23 = vector.broadcast %mul3A_22 : f32 to vector<2048x1xf32>
    %mul3A_24 = arith.mulf %broadcast_in_dim3A_21, %mul3A_23 : vector<2048x1xf32>
    %add3A = arith.constant 9.99999997E-7 : f32
    %add3A_25 = vector.broadcast %add3A : f32 to vector<2048x1xf32>
    %add3A_26 = arith.addf %mul3A_24, %add3A_25 : vector<2048x1xf32>
    %rsqrt3A = math.rsqrt %add3A_26 : vector<2048x1xf32>
    %mul3A_27 = vector.broadcast %rsqrt3A : vector<2048x1xf32> to vector<2048x7xf32>
    %mul3A_28 = arith.mulf %sub3A_17, %mul3A_27 : vector<2048x7xf32>
    %mul3A_29 = vector.broadcast %get3A_7 : vector<1x7xf32> to vector<2048x7xf32>
    %mul3A_30 = arith.mulf %mul3A_28, %mul3A_29 : vector<2048x7xf32>
    %add3A_31 = vector.broadcast %get3A_10 : vector<1x7xf32> to vector<2048x7xf32>
    %add3A_32 = arith.addf %mul3A_30, %add3A_31 : vector<2048x7xf32>
    %get3A_33 = arith.constant 0 : index
    %get3A_34 = arith.constant 0 : index
    %get3A_35 = vector.load %arg3[%get3A_33, %get3A_34] : memref<7x256xf32, #tpu.memory_space<vmem>>, vector<7x256xf32>
    %mul3A_36 = arith.constant 0.176776692 : f32
    %mul3A_37 = vector.broadcast %mul3A_36 : f32 to vector<7x256xf32>
    %mul3A_38 = arith.mulf %get3A_35, %mul3A_37 : vector<7x256xf32>
    %get3A_39 = arith.constant 0 : index
    %get3A_40 = arith.constant 0 : index
    %get3A_41 = vector.load %arg4[%get3A_39, %get3A_40] : memref<7x256xf32, #tpu.memory_space<vmem>>, vector<7x256xf32>
    %slice3A = vector.extract_strided_slice %mul3A_38 {offsets = [0, 0], sizes = [7, 32], strides = [1, 1]} : vector<7x256xf32> to vector<7x32xf32>
    %slice3A_42 = vector.extract_strided_slice %get3A_41 {offsets = [0, 0], sizes = [7, 32], strides = [1, 1]} : vector<7x256xf32> to vector<7x32xf32>
    %dot_general3A = arith.constant dense<0.000000e+00> : vector<7x7xf32>
    %dot_general3A_43 = tpu.matmul %slice3A, %slice3A_42, %dot_general3A {dimension_numbers = #tpu.dot_dimension_numbers<[1], [1], [0], [0], [0, 0, 1, 0], [], []>, transpose_lhs_hint = false} : vector<7x32xf32>, vector<7x32xf32>, vector<7x7xf32> -> vector<7x7xf32>
    %slice3A_44 = vector.extract_strided_slice %mul3A_38 {offsets = [0, 32], sizes = [7, 32], strides = [1, 1]} : vector<7x256xf32> to vector<7x32xf32>
    %slice3A_45 = vector.extract_strided_slice %get3A_41 {offsets = [0, 32], sizes = [7, 32], strides = [1, 1]} : vector<7x256xf32> to vector<7x32xf32>
    %dot_general3A_46 = arith.constant dense<0.000000e+00> : vector<7x7xf32>
    %dot_general3A_47 = tpu.matmul %slice3A_44, %slice3A_45, %dot_general3A_46 {dimension_numbers = #tpu.dot_dimension_numbers<[1], [1], [0], [0], [0, 0, 1, 0], [], []>, transpose_lhs_hint = false} : vector<7x32xf32>, vector<7x32xf32>, vector<7x7xf32> -> vector<7x7xf32>
    %slice3A_48 = vector.extract_strided_slice %mul3A_38 {offsets = [0, 64], sizes = [7, 32], strides = [1, 1]} : vector<7x256xf32> to vector<7x32xf32>
    %slice3A_49 = vector.extract_strided_slice %get3A_41 {offsets = [0, 64], sizes = [7, 32], strides = [1, 1]} : vector<7x256xf32> to vector<7x32xf32>
    %dot_general3A_50 = arith.constant dense<0.000000e+00> : vector<7x7xf32>
    %dot_general3A_51 = tpu.matmul %slice3A_48, %slice3A_49, %dot_general3A_50 {dimension_numbers = #tpu.dot_dimension_numbers<[1], [1], [0], [0], [0, 0, 1, 0], [], []>, transpose_lhs_hint = false} : vector<7x32xf32>, vector<7x32xf32>, vector<7x7xf32> -> vector<7x7xf32>
    %slice3A_52 = vector.extract_strided_slice %mul3A_38 {offsets = [0, 96], sizes = [7, 32], strides = [1, 1]} : vector<7x256xf32> to vector<7x32xf32>
    %slice3A_53 = vector.extract_strided_slice %get3A_41 {offsets = [0, 96], sizes = [7, 32], strides = [1, 1]} : vector<7x256xf32> to vector<7x32xf32>
    %dot_general3A_54 = arith.constant dense<0.000000e+00> : vector<7x7xf32>
    %dot_general3A_55 = tpu.matmul %slice3A_52, %slice3A_53, %dot_general3A_54 {dimension_numbers = #tpu.dot_dimension_numbers<[1], [1], [0], [0], [0, 0, 1, 0], [], []>, transpose_lhs_hint = false} : vector<7x32xf32>, vector<7x32xf32>, vector<7x7xf32> -> vector<7x7xf32>
    %slice3A_56 = vector.extract_strided_slice %mul3A_38 {offsets = [0, 128], sizes = [7, 32], strides = [1, 1]} : vector<7x256xf32> to vector<7x32xf32>
    %slice3A_57 = vector.extract_strided_slice %get3A_41 {offsets = [0, 128], sizes = [7, 32], strides = [1, 1]} : vector<7x256xf32> to vector<7x32xf32>
    %dot_general3A_58 = arith.constant dense<0.000000e+00> : vector<7x7xf32>
    %dot_general3A_59 = tpu.matmul %slice3A_56, %slice3A_57, %dot_general3A_58 {dimension_numbers = #tpu.dot_dimension_numbers<[1], [1], [0], [0], [0, 0, 1, 0], [], []>, transpose_lhs_hint = false} : vector<7x32xf32>, vector<7x32xf32>, vector<7x7xf32> -> vector<7x7xf32>
    %slice3A_60 = vector.extract_strided_slice %mul3A_38 {offsets = [0, 160], sizes = [7, 32], strides = [1, 1]} : vector<7x256xf32> to vector<7x32xf32>
    %slice3A_61 = vector.extract_strided_slice %get3A_41 {offsets = [0, 160], sizes = [7, 32], strides = [1, 1]} : vector<7x256xf32> to vector<7x32xf32>
    %dot_general3A_62 = arith.constant dense<0.000000e+00> : vector<7x7xf32>
    %dot_general3A_63 = tpu.matmul %slice3A_60, %slice3A_61, %dot_general3A_62 {dimension_numbers = #tpu.dot_dimension_numbers<[1], [1], [0], [0], [0, 0, 1, 0], [], []>, transpose_lhs_hint = false} : vector<7x32xf32>, vector<7x32xf32>, vector<7x7xf32> -> vector<7x7xf32>
    %slice3A_64 = vector.extract_strided_slice %mul3A_38 {offsets = [0, 192], sizes = [7, 32], strides = [1, 1]} : vector<7x256xf32> to vector<7x32xf32>
    %slice3A_65 = vector.extract_strided_slice %get3A_41 {offsets = [0, 192], sizes = [7, 32], strides = [1, 1]} : vector<7x256xf32> to vector<7x32xf32>
    %dot_general3A_66 = arith.constant dense<0.000000e+00> : vector<7x7xf32>
    %dot_general3A_67 = tpu.matmul %slice3A_64, %slice3A_65, %dot_general3A_66 {dimension_numbers = #tpu.dot_dimension_numbers<[1], [1], [0], [0], [0, 0, 1, 0], [], []>, transpose_lhs_hint = false} : vector<7x32xf32>, vector<7x32xf32>, vector<7x7xf32> -> vector<7x7xf32>
    %slice3A_68 = vector.extract_strided_slice %mul3A_38 {offsets = [0, 224], sizes = [7, 32], strides = [1, 1]} : vector<7x256xf32> to vector<7x32xf32>
    %slice3A_69 = vector.extract_strided_slice %get3A_41 {offsets = [0, 224], sizes = [7, 32], strides = [1, 1]} : vector<7x256xf32> to vector<7x32xf32>
    %dot_general3A_70 = arith.constant dense<0.000000e+00> : vector<7x7xf32>
    %dot_general3A_71 = tpu.matmul %slice3A_68, %slice3A_69, %dot_general3A_70 {dimension_numbers = #tpu.dot_dimension_numbers<[1], [1], [0], [0], [0, 0, 1, 0], [], []>, transpose_lhs_hint = false} : vector<7x32xf32>, vector<7x32xf32>, vector<7x7xf32> -> vector<7x7xf32>
    %concatenate3A = tpu.concatenate %dot_general3A_43, %dot_general3A_47, %dot_general3A_51, %dot_general3A_55, %dot_general3A_59, %dot_general3A_63, %dot_general3A_67, %dot_general3A_71 in 1 : vector<7x7xf32>, vector<7x7xf32>, vector<7x7xf32>, vector<7x7xf32>, vector<7x7xf32>, vector<7x7xf32>, vector<7x7xf32>, vector<7x7xf32> -> vector<7x56xf32>
    %iota3A = tpu.iota {dimensions = array<i32: 0>} : vector<56x56xi32>
    %iota3A_72 = tpu.iota {dimensions = array<i32: 1>} : vector<56x56xi32>
    %jit3A = arith.constant 7 : i32
    %eq3A = arith.constant 0 : i32
    %eq3A_73 = arith.cmpi eq, %jit3A, %eq3A : i32
    %jit3A_74 = arith.constant 1 : i32
    %select_n3A = arith.select %eq3A_73, %jit3A_74, %jit3A : i32
    %rem3A = vector.broadcast %select_n3A : i32 to vector<56x56xi32>
    %rem3A_75 = arith.remsi %iota3A, %rem3A : vector<56x56xi32>
    %ne3A = arith.constant 0 : i32
    %ne3A_76 = vector.broadcast %ne3A : i32 to vector<56x56xi32>
    %ne3A_77 = arith.cmpi ne, %rem3A_75, %ne3A_76 : vector<56x56xi32>
    %lt3A = arith.constant 0 : i32
    %lt3A_78 = vector.broadcast %lt3A : i32 to vector<56x56xi32>
    %lt3A_79 = arith.cmpi slt, %rem3A_75, %lt3A_78 : vector<56x56xi32>
    %lt3A_80 = arith.constant 0 : i32
    %lt3A_81 = arith.cmpi slt, %select_n3A, %lt3A_80 : i32
    %ne3A_82 = vector.broadcast %lt3A_81 : i1 to vector<56x56xi1>
    %ne3A_83 = vector.broadcast %ne3A_82 : vector<56x56xi1> to vector<56x56xi1>
    %ne3A_84 = arith.xori %lt3A_79, %ne3A_83 : vector<56x56xi1>
    %and3A = arith.andi %ne3A_84, %ne3A_77 : vector<56x56xi1>
    %add3A_85 = vector.broadcast %select_n3A : i32 to vector<56x56xi32>
    %add3A_86 = arith.addi %rem3A_75, %add3A_85 : vector<56x56xi32>
    %select_n3A_87 = arith.select %and3A, %add3A_86, %rem3A_75 : vector<56x56xi1>, vector<56x56xi32>
    %mul3A_88 = arith.constant 8 : i32
    %mul3A_89 = vector.broadcast %mul3A_88 : i32 to vector<56x56xi32>
    %mul3A_90 = arith.muli %select_n3A_87, %mul3A_89 : vector<56x56xi32>
    %jit3A_91 = arith.constant 7 : i32
    %div3A = vector.broadcast %jit3A_91 : i32 to vector<56x56xi32>
    %div3A_92 = arith.divsi %iota3A, %div3A : vector<56x56xi32>
    %sign3A = arith.constant 0 : i32
    %sign3A_93 = vector.broadcast %sign3A : i32 to vector<56x56xi32>
    %sign3A_94 = arith.cmpi sgt, %iota3A, %sign3A_93 : vector<56x56xi32>
    %sign3A_95 = arith.extui %sign3A_94 : vector<56x56xi1> to vector<56x56xi32>
    %sign3A_96 = arith.constant 0 : i32
    %sign3A_97 = vector.broadcast %sign3A_96 : i32 to vector<56x56xi32>
    %sign3A_98 = arith.cmpi slt, %iota3A, %sign3A_97 : vector<56x56xi32>
    %sign3A_99 = arith.extui %sign3A_98 : vector<56x56xi1> to vector<56x56xi32>
    %sign3A_100 = arith.subi %sign3A_95, %sign3A_99 : vector<56x56xi32>
    %sign3A_101 = arith.constant 0 : i32
    %sign3A_102 = arith.cmpi sgt, %jit3A_91, %sign3A_101 : i32
    %sign3A_103 = arith.extui %sign3A_102 : i1 to i32
    %sign3A_104 = arith.constant 0 : i32
    %sign3A_105 = arith.cmpi slt, %jit3A_91, %sign3A_104 : i32
    %sign3A_106 = arith.extui %sign3A_105 : i1 to i32
    %sign3A_107 = arith.subi %sign3A_103, %sign3A_106 : i32
    %ne3A_108 = vector.broadcast %sign3A_107 : i32 to vector<56x56xi32>
    %ne3A_109 = arith.cmpi ne, %sign3A_100, %ne3A_108 : vector<56x56xi32>
    %rem3A_110 = vector.broadcast %jit3A_91 : i32 to vector<56x56xi32>
    %rem3A_111 = arith.remsi %iota3A, %rem3A_110 : vector<56x56xi32>
    %ne3A_112 = arith.constant 0 : i32
    %ne3A_113 = vector.broadcast %ne3A_112 : i32 to vector<56x56xi32>
    %ne3A_114 = arith.cmpi ne, %rem3A_111, %ne3A_113 : vector<56x56xi32>
    %and3A_115 = arith.andi %ne3A_109, %ne3A_114 : vector<56x56xi1>
    %sub3A_116 = arith.constant 1 : i32
    %sub3A_117 = vector.broadcast %sub3A_116 : i32 to vector<56x56xi32>
    %sub3A_118 = arith.subi %div3A_92, %sub3A_117 : vector<56x56xi32>
    %select_n3A_119 = arith.select %and3A_115, %sub3A_118, %div3A_92 : vector<56x56xi1>, vector<56x56xi32>
    %add3A_120 = arith.addi %mul3A_90, %select_n3A_119 : vector<56x56xi32>
    %eq3A_121 = arith.cmpi eq, %iota3A_72, %add3A_120 : vector<56x56xi32>
    %convert_element_type3A = arith.extui %eq3A_121 : vector<56x56xi1> to vector<56x56xi32>
    %convert_element_type3A_122 = arith.sitofp %convert_element_type3A : vector<56x56xi32> to vector<56x56xf32>
    %convert_element_type3A_123 = arith.truncf %convert_element_type3A_122 : vector<56x56xf32> to vector<56x56xbf16>
    %convert_element_type3A_124 = arith.truncf %concatenate3A : vector<7x56xf32> to vector<7x56xbf16>
    %dot_general3A_125 = arith.constant dense<0.000000e+00> : vector<7x56xf32>
    %dot_general3A_126 = tpu.matmul %convert_element_type3A_124, %convert_element_type3A_123, %dot_general3A_125 {dimension_numbers = #tpu.dot_dimension_numbers<[1], [0], [0], [1], [0, 0, 1, 1], [], []>, transpose_lhs_hint = false} : vector<7x56xbf16>, vector<56x56xbf16>, vector<7x56xf32> -> vector<7x56xf32>
    %dot_general3A_127 = arith.constant dense<0.000000e+00> : vector<2048x56xf32>
    %dot_general3A_128 = tpu.matmul %add3A_32, %dot_general3A_126, %dot_general3A_127 {dimension_numbers = #tpu.dot_dimension_numbers<[1], [0], [0], [1], [0, 0, 1, 1], [], []>, transpose_lhs_hint = false} : vector<2048x7xf32>, vector<7x56xf32>, vector<2048x56xf32> -> vector<2048x56xf32>
    %convert_element_type3A_129 = arith.truncf %dot_general3A_128 : vector<2048x56xf32> to vector<2048x56xbf16>
    %get3A_130 = arith.constant 0 : index
    %get3A_131 = arith.constant 0 : index
    %get3A_132 = vector.load %arg5[%get3A_130, %get3A_131] : memref<7x256xf32, #tpu.memory_space<vmem>>, vector<7x256xf32>
    %get3A_133 = arith.constant 0 : index
    %get3A_134 = arith.constant 0 : index
    %get3A_135 = vector.load %arg6[%get3A_133, %get3A_134] : memref<256x7xf32, #tpu.memory_space<vmem>>, vector<256x7xf32>
    %slice3A_136 = vector.extract_strided_slice %get3A_132 {offsets = [0, 0], sizes = [7, 32], strides = [1, 1]} : vector<7x256xf32> to vector<7x32xf32>
    %slice3A_137 = vector.extract_strided_slice %get3A_135 {offsets = [0, 0], sizes = [32, 7], strides = [1, 1]} : vector<256x7xf32> to vector<32x7xf32>
    %dot_general3A_138 = arith.constant dense<0.000000e+00> : vector<7x7xf32>
    %dot_general3A_139 = tpu.matmul %slice3A_136, %slice3A_137, %dot_general3A_138 {dimension_numbers = #tpu.dot_dimension_numbers<[1], [0], [0], [1], [0, 0, 1, 1], [], []>, transpose_lhs_hint = false} : vector<7x32xf32>, vector<32x7xf32>, vector<7x7xf32> -> vector<7x7xf32>
    %slice3A_140 = vector.extract_strided_slice %dot_general3A_139 {offsets = [0, 0], sizes = [1, 7], strides = [1, 1]} : vector<7x7xf32> to vector<1x7xf32>
    %slice3A_141 = vector.extract_strided_slice %dot_general3A_139 {offsets = [1, 0], sizes = [1, 7], strides = [1, 1]} : vector<7x7xf32> to vector<1x7xf32>
    %slice3A_142 = vector.extract_strided_slice %dot_general3A_139 {offsets = [2, 0], sizes = [1, 7], strides = [1, 1]} : vector<7x7xf32> to vector<1x7xf32>
    %slice3A_143 = vector.extract_strided_slice %dot_general3A_139 {offsets = [3, 0], sizes = [1, 7], strides = [1, 1]} : vector<7x7xf32> to vector<1x7xf32>
    %slice3A_144 = vector.extract_strided_slice %dot_general3A_139 {offsets = [4, 0], sizes = [1, 7], strides = [1, 1]} : vector<7x7xf32> to vector<1x7xf32>
    %slice3A_145 = vector.extract_strided_slice %dot_general3A_139 {offsets = [5, 0], sizes = [1, 7], strides = [1, 1]} : vector<7x7xf32> to vector<1x7xf32>
    %slice3A_146 = vector.extract_strided_slice %dot_general3A_139 {offsets = [6, 0], sizes = [1, 7], strides = [1, 1]} : vector<7x7xf32> to vector<1x7xf32>
    %concatenate3A_147 = tpu.concatenate %slice3A_140, %slice3A_141, %slice3A_142, %slice3A_143, %slice3A_144, %slice3A_145, %slice3A_146 in 1 : vector<1x7xf32>, vector<1x7xf32>, vector<1x7xf32>, vector<1x7xf32>, vector<1x7xf32>, vector<1x7xf32>, vector<1x7xf32> -> vector<1x49xf32>
    %broadcast_in_dim3A_148 = vector.shape_cast %concatenate3A_147 : vector<1x49xf32> to vector<1x49xf32>
    %broadcast_in_dim3A_149 = vector.broadcast %broadcast_in_dim3A_148 : vector<1x49xf32> to vector<32x49xf32>
    %slice3A_150 = vector.extract_strided_slice %get3A_132 {offsets = [0, 32], sizes = [7, 32], strides = [1, 1]} : vector<7x256xf32> to vector<7x32xf32>
    %slice3A_151 = vector.extract_strided_slice %get3A_135 {offsets = [32, 0], sizes = [32, 7], strides = [1, 1]} : vector<256x7xf32> to vector<32x7xf32>
    %dot_general3A_152 = arith.constant dense<0.000000e+00> : vector<7x7xf32>
    %dot_general3A_153 = tpu.matmul %slice3A_150, %slice3A_151, %dot_general3A_152 {dimension_numbers = #tpu.dot_dimension_numbers<[1], [0], [0], [1], [0, 0, 1, 1], [], []>, transpose_lhs_hint = false} : vector<7x32xf32>, vector<32x7xf32>, vector<7x7xf32> -> vector<7x7xf32>
    %slice3A_154 = vector.extract_strided_slice %dot_general3A_153 {offsets = [0, 0], sizes = [1, 7], strides = [1, 1]} : vector<7x7xf32> to vector<1x7xf32>
    %slice3A_155 = vector.extract_strided_slice %dot_general3A_153 {offsets = [1, 0], sizes = [1, 7], strides = [1, 1]} : vector<7x7xf32> to vector<1x7xf32>
    %slice3A_156 = vector.extract_strided_slice %dot_general3A_153 {offsets = [2, 0], sizes = [1, 7], strides = [1, 1]} : vector<7x7xf32> to vector<1x7xf32>
    %slice3A_157 = vector.extract_strided_slice %dot_general3A_153 {offsets = [3, 0], sizes = [1, 7], strides = [1, 1]} : vector<7x7xf32> to vector<1x7xf32>
    %slice3A_158 = vector.extract_strided_slice %dot_general3A_153 {offsets = [4, 0], sizes = [1, 7], strides = [1, 1]} : vector<7x7xf32> to vector<1x7xf32>
    %slice3A_159 = vector.extract_strided_slice %dot_general3A_153 {offsets = [5, 0], sizes = [1, 7], strides = [1, 1]} : vector<7x7xf32> to vector<1x7xf32>
    %slice3A_160 = vector.extract_strided_slice %dot_general3A_153 {offsets = [6, 0], sizes = [1, 7], strides = [1, 1]} : vector<7x7xf32> to vector<1x7xf32>
    %concatenate3A_161 = tpu.concatenate %slice3A_154, %slice3A_155, %slice3A_156, %slice3A_157, %slice3A_158, %slice3A_159, %slice3A_160 in 1 : vector<1x7xf32>, vector<1x7xf32>, vector<1x7xf32>, vector<1x7xf32>, vector<1x7xf32>, vector<1x7xf32>, vector<1x7xf32> -> vector<1x49xf32>
    %broadcast_in_dim3A_162 = vector.shape_cast %concatenate3A_161 : vector<1x49xf32> to vector<1x49xf32>
    %broadcast_in_dim3A_163 = vector.broadcast %broadcast_in_dim3A_162 : vector<1x49xf32> to vector<32x49xf32>
    %slice3A_164 = vector.extract_strided_slice %get3A_132 {offsets = [0, 64], sizes = [7, 32], strides = [1, 1]} : vector<7x256xf32> to vector<7x32xf32>
    %slice3A_165 = vector.extract_strided_slice %get3A_135 {offsets = [64, 0], sizes = [32, 7], strides = [1, 1]} : vector<256x7xf32> to vector<32x7xf32>
    %dot_general3A_166 = arith.constant dense<0.000000e+00> : vector<7x7xf32>
    %dot_general3A_167 = tpu.matmul %slice3A_164, %slice3A_165, %dot_general3A_166 {dimension_numbers = #tpu.dot_dimension_numbers<[1], [0], [0], [1], [0, 0, 1, 1], [], []>, transpose_lhs_hint = false} : vector<7x32xf32>, vector<32x7xf32>, vector<7x7xf32> -> vector<7x7xf32>
    %slice3A_168 = vector.extract_strided_slice %dot_general3A_167 {offsets = [0, 0], sizes = [1, 7], strides = [1, 1]} : vector<7x7xf32> to vector<1x7xf32>
    %slice3A_169 = vector.extract_strided_slice %dot_general3A_167 {offsets = [1, 0], sizes = [1, 7], strides = [1, 1]} : vector<7x7xf32> to vector<1x7xf32>
    %slice3A_170 = vector.extract_strided_slice %dot_general3A_167 {offsets = [2, 0], sizes = [1, 7], strides = [1, 1]} : vector<7x7xf32> to vector<1x7xf32>
    %slice3A_171 = vector.extract_strided_slice %dot_general3A_167 {offsets = [3, 0], sizes = [1, 7], strides = [1, 1]} : vector<7x7xf32> to vector<1x7xf32>
    %slice3A_172 = vector.extract_strided_slice %dot_general3A_167 {offsets = [4, 0], sizes = [1, 7], strides = [1, 1]} : vector<7x7xf32> to vector<1x7xf32>
    %slice3A_173 = vector.extract_strided_slice %dot_general3A_167 {offsets = [5, 0], sizes = [1, 7], strides = [1, 1]} : vector<7x7xf32> to vector<1x7xf32>
    %slice3A_174 = vector.extract_strided_slice %dot_general3A_167 {offsets = [6, 0], sizes = [1, 7], strides = [1, 1]} : vector<7x7xf32> to vector<1x7xf32>
    %concatenate3A_175 = tpu.concatenate %slice3A_168, %slice3A_169, %slice3A_170, %slice3A_171, %slice3A_172, %slice3A_173, %slice3A_174 in 1 : vector<1x7xf32>, vector<1x7xf32>, vector<1x7xf32>, vector<1x7xf32>, vector<1x7xf32>, vector<1x7xf32>, vector<1x7xf32> -> vector<1x49xf32>
    %broadcast_in_dim3A_176 = vector.shape_cast %concatenate3A_175 : vector<1x49xf32> to vector<1x49xf32>
    %broadcast_in_dim3A_177 = vector.broadcast %broadcast_in_dim3A_176 : vector<1x49xf32> to vector<32x49xf32>
    %slice3A_178 = vector.extract_strided_slice %get3A_132 {offsets = [0, 96], sizes = [7, 32], strides = [1, 1]} : vector<7x256xf32> to vector<7x32xf32>
    %slice3A_179 = vector.extract_strided_slice %get3A_135 {offsets = [96, 0], sizes = [32, 7], strides = [1, 1]} : vector<256x7xf32> to vector<32x7xf32>
    %dot_general3A_180 = arith.constant dense<0.000000e+00> : vector<7x7xf32>
    %dot_general3A_181 = tpu.matmul %slice3A_178, %slice3A_179, %dot_general3A_180 {dimension_numbers = #tpu.dot_dimension_numbers<[1], [0], [0], [1], [0, 0, 1, 1], [], []>, transpose_lhs_hint = false} : vector<7x32xf32>, vector<32x7xf32>, vector<7x7xf32> -> vector<7x7xf32>
    %slice3A_182 = vector.extract_strided_slice %dot_general3A_181 {offsets = [0, 0], sizes = [1, 7], strides = [1, 1]} : vector<7x7xf32> to vector<1x7xf32>
    %slice3A_183 = vector.extract_strided_slice %dot_general3A_181 {offsets = [1, 0], sizes = [1, 7], strides = [1, 1]} : vector<7x7xf32> to vector<1x7xf32>
    %slice3A_184 = vector.extract_strided_slice %dot_general3A_181 {offsets = [2, 0], sizes = [1, 7], strides = [1, 1]} : vector<7x7xf32> to vector<1x7xf32>
    %slice3A_185 = vector.extract_strided_slice %dot_general3A_181 {offsets = [3, 0], sizes = [1, 7], strides = [1, 1]} : vector<7x7xf32> to vector<1x7xf32>
    %slice3A_186 = vector.extract_strided_slice %dot_general3A_181 {offsets = [4, 0], sizes = [1, 7], strides = [1, 1]} : vector<7x7xf32> to vector<1x7xf32>
    %slice3A_187 = vector.extract_strided_slice %dot_general3A_181 {offsets = [5, 0], sizes = [1, 7], strides = [1, 1]} : vector<7x7xf32> to vector<1x7xf32>
    %slice3A_188 = vector.extract_strided_slice %dot_general3A_181 {offsets = [6, 0], sizes = [1, 7], strides = [1, 1]} : vector<7x7xf32> to vector<1x7xf32>
    %concatenate3A_189 = tpu.concatenate %slice3A_182, %slice3A_183, %slice3A_184, %slice3A_185, %slice3A_186, %slice3A_187, %slice3A_188 in 1 : vector<1x7xf32>, vector<1x7xf32>, vector<1x7xf32>, vector<1x7xf32>, vector<1x7xf32>, vector<1x7xf32>, vector<1x7xf32> -> vector<1x49xf32>
    %broadcast_in_dim3A_190 = vector.shape_cast %concatenate3A_189 : vector<1x49xf32> to vector<1x49xf32>
    %broadcast_in_dim3A_191 = vector.broadcast %broadcast_in_dim3A_190 : vector<1x49xf32> to vector<32x49xf32>
    %slice3A_192 = vector.extract_strided_slice %get3A_132 {offsets = [0, 128], sizes = [7, 32], strides = [1, 1]} : vector<7x256xf32> to vector<7x32xf32>
    %slice3A_193 = vector.extract_strided_slice %get3A_135 {offsets = [128, 0], sizes = [32, 7], strides = [1, 1]} : vector<256x7xf32> to vector<32x7xf32>
    %dot_general3A_194 = arith.constant dense<0.000000e+00> : vector<7x7xf32>
    %dot_general3A_195 = tpu.matmul %slice3A_192, %slice3A_193, %dot_general3A_194 {dimension_numbers = #tpu.dot_dimension_numbers<[1], [0], [0], [1], [0, 0, 1, 1], [], []>, transpose_lhs_hint = false} : vector<7x32xf32>, vector<32x7xf32>, vector<7x7xf32> -> vector<7x7xf32>
    %slice3A_196 = vector.extract_strided_slice %dot_general3A_195 {offsets = [0, 0], sizes = [1, 7], strides = [1, 1]} : vector<7x7xf32> to vector<1x7xf32>
    %slice3A_197 = vector.extract_strided_slice %dot_general3A_195 {offsets = [1, 0], sizes = [1, 7], strides = [1, 1]} : vector<7x7xf32> to vector<1x7xf32>
    %slice3A_198 = vector.extract_strided_slice %dot_general3A_195 {offsets = [2, 0], sizes = [1, 7], strides = [1, 1]} : vector<7x7xf32> to vector<1x7xf32>
    %slice3A_199 = vector.extract_strided_slice %dot_general3A_195 {offsets = [3, 0], sizes = [1, 7], strides = [1, 1]} : vector<7x7xf32> to vector<1x7xf32>
    %slice3A_200 = vector.extract_strided_slice %dot_general3A_195 {offsets = [4, 0], sizes = [1, 7], strides = [1, 1]} : vector<7x7xf32> to vector<1x7xf32>
    %slice3A_201 = vector.extract_strided_slice %dot_general3A_195 {offsets = [5, 0], sizes = [1, 7], strides = [1, 1]} : vector<7x7xf32> to vector<1x7xf32>
    %slice3A_202 = vector.extract_strided_slice %dot_general3A_195 {offsets = [6, 0], sizes = [1, 7], strides = [1, 1]} : vector<7x7xf32> to vector<1x7xf32>
    %concatenate3A_203 = tpu.concatenate %slice3A_196, %slice3A_197, %slice3A_198, %slice3A_199, %slice3A_200, %slice3A_201, %slice3A_202 in 1 : vector<1x7xf32>, vector<1x7xf32>, vector<1x7xf32>, vector<1x7xf32>, vector<1x7xf32>, vector<1x7xf32>, vector<1x7xf32> -> vector<1x49xf32>
    %broadcast_in_dim3A_204 = vector.shape_cast %concatenate3A_203 : vector<1x49xf32> to vector<1x49xf32>
    %broadcast_in_dim3A_205 = vector.broadcast %broadcast_in_dim3A_204 : vector<1x49xf32> to vector<32x49xf32>
    %slice3A_206 = vector.extract_strided_slice %get3A_132 {offsets = [0, 160], sizes = [7, 32], strides = [1, 1]} : vector<7x256xf32> to vector<7x32xf32>
    %slice3A_207 = vector.extract_strided_slice %get3A_135 {offsets = [160, 0], sizes = [32, 7], strides = [1, 1]} : vector<256x7xf32> to vector<32x7xf32>
    %dot_general3A_208 = arith.constant dense<0.000000e+00> : vector<7x7xf32>
    %dot_general3A_209 = tpu.matmul %slice3A_206, %slice3A_207, %dot_general3A_208 {dimension_numbers = #tpu.dot_dimension_numbers<[1], [0], [0], [1], [0, 0, 1, 1], [], []>, transpose_lhs_hint = false} : vector<7x32xf32>, vector<32x7xf32>, vector<7x7xf32> -> vector<7x7xf32>
    %slice3A_210 = vector.extract_strided_slice %dot_general3A_209 {offsets = [0, 0], sizes = [1, 7], strides = [1, 1]} : vector<7x7xf32> to vector<1x7xf32>
    %slice3A_211 = vector.extract_strided_slice %dot_general3A_209 {offsets = [1, 0], sizes = [1, 7], strides = [1, 1]} : vector<7x7xf32> to vector<1x7xf32>
    %slice3A_212 = vector.extract_strided_slice %dot_general3A_209 {offsets = [2, 0], sizes = [1, 7], strides = [1, 1]} : vector<7x7xf32> to vector<1x7xf32>
    %slice3A_213 = vector.extract_strided_slice %dot_general3A_209 {offsets = [3, 0], sizes = [1, 7], strides = [1, 1]} : vector<7x7xf32> to vector<1x7xf32>
    %slice3A_214 = vector.extract_strided_slice %dot_general3A_209 {offsets = [4, 0], sizes = [1, 7], strides = [1, 1]} : vector<7x7xf32> to vector<1x7xf32>
    %slice3A_215 = vector.extract_strided_slice %dot_general3A_209 {offsets = [5, 0], sizes = [1, 7], strides = [1, 1]} : vector<7x7xf32> to vector<1x7xf32>
    %slice3A_216 = vector.extract_strided_slice %dot_general3A_209 {offsets = [6, 0], sizes = [1, 7], strides = [1, 1]} : vector<7x7xf32> to vector<1x7xf32>
    %concatenate3A_217 = tpu.concatenate %slice3A_210, %slice3A_211, %slice3A_212, %slice3A_213, %slice3A_214, %slice3A_215, %slice3A_216 in 1 : vector<1x7xf32>, vector<1x7xf32>, vector<1x7xf32>, vector<1x7xf32>, vector<1x7xf32>, vector<1x7xf32>, vector<1x7xf32> -> vector<1x49xf32>
    %broadcast_in_dim3A_218 = vector.shape_cast %concatenate3A_217 : vector<1x49xf32> to vector<1x49xf32>
    %broadcast_in_dim3A_219 = vector.broadcast %broadcast_in_dim3A_218 : vector<1x49xf32> to vector<32x49xf32>
    %slice3A_220 = vector.extract_strided_slice %get3A_132 {offsets = [0, 192], sizes = [7, 32], strides = [1, 1]} : vector<7x256xf32> to vector<7x32xf32>
    %slice3A_221 = vector.extract_strided_slice %get3A_135 {offsets = [192, 0], sizes = [32, 7], strides = [1, 1]} : vector<256x7xf32> to vector<32x7xf32>
    %dot_general3A_222 = arith.constant dense<0.000000e+00> : vector<7x7xf32>
    %dot_general3A_223 = tpu.matmul %slice3A_220, %slice3A_221, %dot_general3A_222 {dimension_numbers = #tpu.dot_dimension_numbers<[1], [0], [0], [1], [0, 0, 1, 1], [], []>, transpose_lhs_hint = false} : vector<7x32xf32>, vector<32x7xf32>, vector<7x7xf32> -> vector<7x7xf32>
    %slice3A_224 = vector.extract_strided_slice %dot_general3A_223 {offsets = [0, 0], sizes = [1, 7], strides = [1, 1]} : vector<7x7xf32> to vector<1x7xf32>
    %slice3A_225 = vector.extract_strided_slice %dot_general3A_223 {offsets = [1, 0], sizes = [1, 7], strides = [1, 1]} : vector<7x7xf32> to vector<1x7xf32>
    %slice3A_226 = vector.extract_strided_slice %dot_general3A_223 {offsets = [2, 0], sizes = [1, 7], strides = [1, 1]} : vector<7x7xf32> to vector<1x7xf32>
    %slice3A_227 = vector.extract_strided_slice %dot_general3A_223 {offsets = [3, 0], sizes = [1, 7], strides = [1, 1]} : vector<7x7xf32> to vector<1x7xf32>
    %slice3A_228 = vector.extract_strided_slice %dot_general3A_223 {offsets = [4, 0], sizes = [1, 7], strides = [1, 1]} : vector<7x7xf32> to vector<1x7xf32>
    %slice3A_229 = vector.extract_strided_slice %dot_general3A_223 {offsets = [5, 0], sizes = [1, 7], strides = [1, 1]} : vector<7x7xf32> to vector<1x7xf32>
    %slice3A_230 = vector.extract_strided_slice %dot_general3A_223 {offsets = [6, 0], sizes = [1, 7], strides = [1, 1]} : vector<7x7xf32> to vector<1x7xf32>
    %concatenate3A_231 = tpu.concatenate %slice3A_224, %slice3A_225, %slice3A_226, %slice3A_227, %slice3A_228, %slice3A_229, %slice3A_230 in 1 : vector<1x7xf32>, vector<1x7xf32>, vector<1x7xf32>, vector<1x7xf32>, vector<1x7xf32>, vector<1x7xf32>, vector<1x7xf32> -> vector<1x49xf32>
    %broadcast_in_dim3A_232 = vector.shape_cast %concatenate3A_231 : vector<1x49xf32> to vector<1x49xf32>
    %broadcast_in_dim3A_233 = vector.broadcast %broadcast_in_dim3A_232 : vector<1x49xf32> to vector<32x49xf32>
    %slice3A_234 = vector.extract_strided_slice %get3A_132 {offsets = [0, 224], sizes = [7, 32], strides = [1, 1]} : vector<7x256xf32> to vector<7x32xf32>
    %slice3A_235 = vector.extract_strided_slice %get3A_135 {offsets = [224, 0], sizes = [32, 7], strides = [1, 1]} : vector<256x7xf32> to vector<32x7xf32>
    %dot_general3A_236 = arith.constant dense<0.000000e+00> : vector<7x7xf32>
    %dot_general3A_237 = tpu.matmul %slice3A_234, %slice3A_235, %dot_general3A_236 {dimension_numbers = #tpu.dot_dimension_numbers<[1], [0], [0], [1], [0, 0, 1, 1], [], []>, transpose_lhs_hint = false} : vector<7x32xf32>, vector<32x7xf32>, vector<7x7xf32> -> vector<7x7xf32>
    %slice3A_238 = vector.extract_strided_slice %dot_general3A_237 {offsets = [0, 0], sizes = [1, 7], strides = [1, 1]} : vector<7x7xf32> to vector<1x7xf32>
    %slice3A_239 = vector.extract_strided_slice %dot_general3A_237 {offsets = [1, 0], sizes = [1, 7], strides = [1, 1]} : vector<7x7xf32> to vector<1x7xf32>
    %slice3A_240 = vector.extract_strided_slice %dot_general3A_237 {offsets = [2, 0], sizes = [1, 7], strides = [1, 1]} : vector<7x7xf32> to vector<1x7xf32>
    %slice3A_241 = vector.extract_strided_slice %dot_general3A_237 {offsets = [3, 0], sizes = [1, 7], strides = [1, 1]} : vector<7x7xf32> to vector<1x7xf32>
    %slice3A_242 = vector.extract_strided_slice %dot_general3A_237 {offsets = [4, 0], sizes = [1, 7], strides = [1, 1]} : vector<7x7xf32> to vector<1x7xf32>
    %slice3A_243 = vector.extract_strided_slice %dot_general3A_237 {offsets = [5, 0], sizes = [1, 7], strides = [1, 1]} : vector<7x7xf32> to vector<1x7xf32>
    %slice3A_244 = vector.extract_strided_slice %dot_general3A_237 {offsets = [6, 0], sizes = [1, 7], strides = [1, 1]} : vector<7x7xf32> to vector<1x7xf32>
    %concatenate3A_245 = tpu.concatenate %slice3A_238, %slice3A_239, %slice3A_240, %slice3A_241, %slice3A_242, %slice3A_243, %slice3A_244 in 1 : vector<1x7xf32>, vector<1x7xf32>, vector<1x7xf32>, vector<1x7xf32>, vector<1x7xf32>, vector<1x7xf32>, vector<1x7xf32> -> vector<1x49xf32>
    %broadcast_in_dim3A_246 = vector.shape_cast %concatenate3A_245 : vector<1x49xf32> to vector<1x49xf32>
    %broadcast_in_dim3A_247 = vector.broadcast %broadcast_in_dim3A_246 : vector<1x49xf32> to vector<32x49xf32>
    %concatenate3A_248 = tpu.concatenate %broadcast_in_dim3A_149, %broadcast_in_dim3A_163, %broadcast_in_dim3A_177, %broadcast_in_dim3A_191, %broadcast_in_dim3A_205, %broadcast_in_dim3A_219, %broadcast_in_dim3A_233, %broadcast_in_dim3A_247 in 0 : vector<32x49xf32>, vector<32x49xf32>, vector<32x49xf32>, vector<32x49xf32>, vector<32x49xf32>, vector<32x49xf32>, vector<32x49xf32>, vector<32x49xf32> -> vector<256x49xf32>
    %convert_element_type3A_249 = arith.truncf %concatenate3A_248 : vector<256x49xf32> to vector<256x49xbf16>
    %iota3A_250 = tpu.iota {dimensions = array<i32: 0>} : vector<8x256xi32>
    %iota3A_251 = tpu.iota {dimensions = array<i32: 1>} : vector<8x256xi32>
    %jit3A_252 = arith.constant 32 : i32
    %div3A_253 = vector.broadcast %jit3A_252 : i32 to vector<8x256xi32>
    %div3A_254 = arith.divsi %iota3A_251, %div3A_253 : vector<8x256xi32>
    %sign3A_255 = arith.constant 0 : i32
    %sign3A_256 = vector.broadcast %sign3A_255 : i32 to vector<8x256xi32>
    %sign3A_257 = arith.cmpi sgt, %iota3A_251, %sign3A_256 : vector<8x256xi32>
    %sign3A_258 = arith.extui %sign3A_257 : vector<8x256xi1> to vector<8x256xi32>
    %sign3A_259 = arith.constant 0 : i32
    %sign3A_260 = vector.broadcast %sign3A_259 : i32 to vector<8x256xi32>
    %sign3A_261 = arith.cmpi slt, %iota3A_251, %sign3A_260 : vector<8x256xi32>
    %sign3A_262 = arith.extui %sign3A_261 : vector<8x256xi1> to vector<8x256xi32>
    %sign3A_263 = arith.subi %sign3A_258, %sign3A_262 : vector<8x256xi32>
    %sign3A_264 = arith.constant 0 : i32
    %sign3A_265 = arith.cmpi sgt, %jit3A_252, %sign3A_264 : i32
    %sign3A_266 = arith.extui %sign3A_265 : i1 to i32
    %sign3A_267 = arith.constant 0 : i32
    %sign3A_268 = arith.cmpi slt, %jit3A_252, %sign3A_267 : i32
    %sign3A_269 = arith.extui %sign3A_268 : i1 to i32
    %sign3A_270 = arith.subi %sign3A_266, %sign3A_269 : i32
    %ne3A_271 = vector.broadcast %sign3A_270 : i32 to vector<8x256xi32>
    %ne3A_272 = arith.cmpi ne, %sign3A_263, %ne3A_271 : vector<8x256xi32>
    %rem3A_273 = vector.broadcast %jit3A_252 : i32 to vector<8x256xi32>
    %rem3A_274 = arith.remsi %iota3A_251, %rem3A_273 : vector<8x256xi32>
    %ne3A_275 = arith.constant 0 : i32
    %ne3A_276 = vector.broadcast %ne3A_275 : i32 to vector<8x256xi32>
    %ne3A_277 = arith.cmpi ne, %rem3A_274, %ne3A_276 : vector<8x256xi32>
    %and3A_278 = arith.andi %ne3A_272, %ne3A_277 : vector<8x256xi1>
    %sub3A_279 = arith.constant 1 : i32
    %sub3A_280 = vector.broadcast %sub3A_279 : i32 to vector<8x256xi32>
    %sub3A_281 = arith.subi %div3A_254, %sub3A_280 : vector<8x256xi32>
    %select_n3A_282 = arith.select %and3A_278, %sub3A_281, %div3A_254 : vector<8x256xi1>, vector<8x256xi32>
    %eq3A_283 = arith.cmpi eq, %iota3A_250, %select_n3A_282 : vector<8x256xi32>
    %convert_element_type3A_284 = arith.extui %eq3A_283 : vector<8x256xi1> to vector<8x256xi32>
    %convert_element_type3A_285 = arith.sitofp %convert_element_type3A_284 : vector<8x256xi32> to vector<8x256xf32>
    %convert_element_type3A_286 = arith.truncf %convert_element_type3A_285 : vector<8x256xf32> to vector<8x256xbf16>
    %iota3A_287 = tpu.iota {dimensions = array<i32: 0>} : vector<32x256xi32>
    %iota3A_288 = tpu.iota {dimensions = array<i32: 1>} : vector<32x256xi32>
    %jit3A_289 = arith.constant 32 : i32
    %eq3A_290 = arith.constant 0 : i32
    %eq3A_291 = arith.cmpi eq, %jit3A_289, %eq3A_290 : i32
    %jit3A_292 = arith.constant 1 : i32
    %select_n3A_293 = arith.select %eq3A_291, %jit3A_292, %jit3A_289 : i32
    %rem3A_294 = vector.broadcast %select_n3A_293 : i32 to vector<32x256xi32>
    %rem3A_295 = arith.remsi %iota3A_288, %rem3A_294 : vector<32x256xi32>
    %ne3A_296 = arith.constant 0 : i32
    %ne3A_297 = vector.broadcast %ne3A_296 : i32 to vector<32x256xi32>
    %ne3A_298 = arith.cmpi ne, %rem3A_295, %ne3A_297 : vector<32x256xi32>
    %lt3A_299 = arith.constant 0 : i32
    %lt3A_300 = vector.broadcast %lt3A_299 : i32 to vector<32x256xi32>
    %lt3A_301 = arith.cmpi slt, %rem3A_295, %lt3A_300 : vector<32x256xi32>
    %lt3A_302 = arith.constant 0 : i32
    %lt3A_303 = arith.cmpi slt, %select_n3A_293, %lt3A_302 : i32
    %ne3A_304 = vector.broadcast %lt3A_303 : i1 to vector<32x256xi1>
    %ne3A_305 = vector.broadcast %ne3A_304 : vector<32x256xi1> to vector<32x256xi1>
    %ne3A_306 = arith.xori %lt3A_301, %ne3A_305 : vector<32x256xi1>
    %and3A_307 = arith.andi %ne3A_306, %ne3A_298 : vector<32x256xi1>
    %add3A_308 = vector.broadcast %select_n3A_293 : i32 to vector<32x256xi32>
    %add3A_309 = arith.addi %rem3A_295, %add3A_308 : vector<32x256xi32>
    %select_n3A_310 = arith.select %and3A_307, %add3A_309, %rem3A_295 : vector<32x256xi1>, vector<32x256xi32>
    %eq3A_311 = arith.cmpi eq, %iota3A_287, %select_n3A_310 : vector<32x256xi32>
    %convert_element_type3A_312 = arith.extui %eq3A_311 : vector<32x256xi1> to vector<32x256xi32>
    %convert_element_type3A_313 = arith.sitofp %convert_element_type3A_312 : vector<32x256xi32> to vector<32x256xf32>
    %convert_element_type3A_314 = arith.truncf %convert_element_type3A_313 : vector<32x256xf32> to vector<32x256xbf16>
    %iota3A_315 = tpu.iota {dimensions = array<i32: 0>} : vector<256x256xi32>
    %iota3A_316 = tpu.iota {dimensions = array<i32: 1>} : vector<256x256xi32>
    %jit3A_317 = arith.constant 32 : i32
    %div3A_318 = vector.broadcast %jit3A_317 : i32 to vector<256x256xi32>
    %div3A_319 = arith.divsi %iota3A_315, %div3A_318 : vector<256x256xi32>
    %sign3A_320 = arith.constant 0 : i32
    %sign3A_321 = vector.broadcast %sign3A_320 : i32 to vector<256x256xi32>
    %sign3A_322 = arith.cmpi sgt, %iota3A_315, %sign3A_321 : vector<256x256xi32>
    %sign3A_323 = arith.extui %sign3A_322 : vector<256x256xi1> to vector<256x256xi32>
    %sign3A_324 = arith.constant 0 : i32
    %sign3A_325 = vector.broadcast %sign3A_324 : i32 to vector<256x256xi32>
    %sign3A_326 = arith.cmpi slt, %iota3A_315, %sign3A_325 : vector<256x256xi32>
    %sign3A_327 = arith.extui %sign3A_326 : vector<256x256xi1> to vector<256x256xi32>
    %sign3A_328 = arith.subi %sign3A_323, %sign3A_327 : vector<256x256xi32>
    %sign3A_329 = arith.constant 0 : i32
    %sign3A_330 = arith.cmpi sgt, %jit3A_317, %sign3A_329 : i32
    %sign3A_331 = arith.extui %sign3A_330 : i1 to i32
    %sign3A_332 = arith.constant 0 : i32
    %sign3A_333 = arith.cmpi slt, %jit3A_317, %sign3A_332 : i32
    %sign3A_334 = arith.extui %sign3A_333 : i1 to i32
    %sign3A_335 = arith.subi %sign3A_331, %sign3A_334 : i32
    %ne3A_336 = vector.broadcast %sign3A_335 : i32 to vector<256x256xi32>
    %ne3A_337 = arith.cmpi ne, %sign3A_328, %ne3A_336 : vector<256x256xi32>
    %rem3A_338 = vector.broadcast %jit3A_317 : i32 to vector<256x256xi32>
    %rem3A_339 = arith.remsi %iota3A_315, %rem3A_338 : vector<256x256xi32>
    %ne3A_340 = arith.constant 0 : i32
    %ne3A_341 = vector.broadcast %ne3A_340 : i32 to vector<256x256xi32>
    %ne3A_342 = arith.cmpi ne, %rem3A_339, %ne3A_341 : vector<256x256xi32>
    %and3A_343 = arith.andi %ne3A_337, %ne3A_342 : vector<256x256xi1>
    %sub3A_344 = arith.constant 1 : i32
    %sub3A_345 = vector.broadcast %sub3A_344 : i32 to vector<256x256xi32>
    %sub3A_346 = arith.subi %div3A_319, %sub3A_345 : vector<256x256xi32>
    %select_n3A_347 = arith.select %and3A_343, %sub3A_346, %div3A_319 : vector<256x256xi1>, vector<256x256xi32>
    %jit3A_348 = arith.constant 32 : i32
    %div3A_349 = vector.broadcast %jit3A_348 : i32 to vector<256x256xi32>
    %div3A_350 = arith.divsi %iota3A_316, %div3A_349 : vector<256x256xi32>
    %sign3A_351 = arith.constant 0 : i32
    %sign3A_352 = vector.broadcast %sign3A_351 : i32 to vector<256x256xi32>
    %sign3A_353 = arith.cmpi sgt, %iota3A_316, %sign3A_352 : vector<256x256xi32>
    %sign3A_354 = arith.extui %sign3A_353 : vector<256x256xi1> to vector<256x256xi32>
    %sign3A_355 = arith.constant 0 : i32
    %sign3A_356 = vector.broadcast %sign3A_355 : i32 to vector<256x256xi32>
    %sign3A_357 = arith.cmpi slt, %iota3A_316, %sign3A_356 : vector<256x256xi32>
    %sign3A_358 = arith.extui %sign3A_357 : vector<256x256xi1> to vector<256x256xi32>
    %sign3A_359 = arith.subi %sign3A_354, %sign3A_358 : vector<256x256xi32>
    %sign3A_360 = arith.constant 0 : i32
    %sign3A_361 = arith.cmpi sgt, %jit3A_348, %sign3A_360 : i32
    %sign3A_362 = arith.extui %sign3A_361 : i1 to i32
    %sign3A_363 = arith.constant 0 : i32
    %sign3A_364 = arith.cmpi slt, %jit3A_348, %sign3A_363 : i32
    %sign3A_365 = arith.extui %sign3A_364 : i1 to i32
    %sign3A_366 = arith.subi %sign3A_362, %sign3A_365 : i32
    %ne3A_367 = vector.broadcast %sign3A_366 : i32 to vector<256x256xi32>
    %ne3A_368 = arith.cmpi ne, %sign3A_359, %ne3A_367 : vector<256x256xi32>
    %rem3A_369 = vector.broadcast %jit3A_348 : i32 to vector<256x256xi32>
    %rem3A_370 = arith.remsi %iota3A_316, %rem3A_369 : vector<256x256xi32>
    %ne3A_371 = arith.constant 0 : i32
    %ne3A_372 = vector.broadcast %ne3A_371 : i32 to vector<256x256xi32>
    %ne3A_373 = arith.cmpi ne, %rem3A_370, %ne3A_372 : vector<256x256xi32>
    %and3A_374 = arith.andi %ne3A_368, %ne3A_373 : vector<256x256xi1>
    %sub3A_375 = arith.constant 1 : i32
    %sub3A_376 = vector.broadcast %sub3A_375 : i32 to vector<256x256xi32>
    %sub3A_377 = arith.subi %div3A_350, %sub3A_376 : vector<256x256xi32>
    %select_n3A_378 = arith.select %and3A_374, %sub3A_377, %div3A_350 : vector<256x256xi1>, vector<256x256xi32>
    %eq3A_379 = arith.cmpi eq, %select_n3A_347, %select_n3A_378 : vector<256x256xi32>
    %convert_element_type3A_380 = arith.extui %eq3A_379 : vector<256x256xi1> to vector<256x256xi32>
    %convert_element_type3A_381 = arith.sitofp %convert_element_type3A_380 : vector<256x256xi32> to vector<256x256xf32>
    %convert_element_type3A_382 = arith.truncf %convert_element_type3A_381 : vector<256x256xf32> to vector<256x256xbf16>
    %convert_element_type3A_383 = arith.truncf %get3A_4 : vector<2048x256xf32> to vector<2048x256xbf16>
    %slice3A_384 = vector.extract_strided_slice %convert_element_type3A_129 {offsets = [0, 0], sizes = [2048, 8], strides = [1, 1]} : vector<2048x56xbf16> to vector<2048x8xbf16>
    %dot_general3A_385 = arith.constant dense<0.000000e+00> : vector<2048x256xf32>
    %dot_general3A_386 = tpu.matmul %slice3A_384, %convert_element_type3A_286, %dot_general3A_385 {dimension_numbers = #tpu.dot_dimension_numbers<[1], [0], [0], [1], [0, 0, 1, 1], [], []>, transpose_lhs_hint = false} : vector<2048x8xbf16>, vector<8x256xbf16>, vector<2048x256xf32> -> vector<2048x256xf32>
    %slice3A_387 = vector.extract_strided_slice %convert_element_type3A_383 {offsets = [0, 0], sizes = [2048, 32], strides = [1, 1]} : vector<2048x256xbf16> to vector<2048x32xbf16>
    %dot_general3A_388 = arith.constant dense<0.000000e+00> : vector<2048x256xf32>
    %dot_general3A_389 = tpu.matmul %slice3A_387, %convert_element_type3A_314, %dot_general3A_388 {dimension_numbers = #tpu.dot_dimension_numbers<[1], [0], [0], [1], [0, 0, 1, 1], [], []>, transpose_lhs_hint = false} : vector<2048x32xbf16>, vector<32x256xbf16>, vector<2048x256xf32> -> vector<2048x256xf32>
    %convert_element_type3A_390 = arith.truncf %dot_general3A_389 : vector<2048x256xf32> to vector<2048x256xbf16>
    %mul3A_391 = arith.mulf %dot_general3A_386, %dot_general3A_389 : vector<2048x256xf32>
    %slice3A_392 = vector.extract_strided_slice %convert_element_type3A_129 {offsets = [0, 8], sizes = [2048, 8], strides = [1, 1]} : vector<2048x56xbf16> to vector<2048x8xbf16>
    %dot_general3A_393 = arith.constant dense<0.000000e+00> : vector<2048x256xf32>
    %dot_general3A_394 = tpu.matmul %slice3A_392, %convert_element_type3A_286, %dot_general3A_393 {dimension_numbers = #tpu.dot_dimension_numbers<[1], [0], [0], [1], [0, 0, 1, 1], [], []>, transpose_lhs_hint = false} : vector<2048x8xbf16>, vector<8x256xbf16>, vector<2048x256xf32> -> vector<2048x256xf32>
    %slice3A_395 = vector.extract_strided_slice %convert_element_type3A_383 {offsets = [0, 32], sizes = [2048, 32], strides = [1, 1]} : vector<2048x256xbf16> to vector<2048x32xbf16>
    %dot_general3A_396 = arith.constant dense<0.000000e+00> : vector<2048x256xf32>
    %dot_general3A_397 = tpu.matmul %slice3A_395, %convert_element_type3A_314, %dot_general3A_396 {dimension_numbers = #tpu.dot_dimension_numbers<[1], [0], [0], [1], [0, 0, 1, 1], [], []>, transpose_lhs_hint = false} : vector<2048x32xbf16>, vector<32x256xbf16>, vector<2048x256xf32> -> vector<2048x256xf32>
    %convert_element_type3A_398 = arith.truncf %dot_general3A_397 : vector<2048x256xf32> to vector<2048x256xbf16>
    %mul3A_399 = arith.mulf %dot_general3A_394, %dot_general3A_397 : vector<2048x256xf32>
    %add3A_400 = arith.addf %mul3A_391, %mul3A_399 : vector<2048x256xf32>
    %slice3A_401 = vector.extract_strided_slice %convert_element_type3A_129 {offsets = [0, 16], sizes = [2048, 8], strides = [1, 1]} : vector<2048x56xbf16> to vector<2048x8xbf16>
    %dot_general3A_402 = arith.constant dense<0.000000e+00> : vector<2048x256xf32>
    %dot_general3A_403 = tpu.matmul %slice3A_401, %convert_element_type3A_286, %dot_general3A_402 {dimension_numbers = #tpu.dot_dimension_numbers<[1], [0], [0], [1], [0, 0, 1, 1], [], []>, transpose_lhs_hint = false} : vector<2048x8xbf16>, vector<8x256xbf16>, vector<2048x256xf32> -> vector<2048x256xf32>
    %slice3A_404 = vector.extract_strided_slice %convert_element_type3A_383 {offsets = [0, 64], sizes = [2048, 32], strides = [1, 1]} : vector<2048x256xbf16> to vector<2048x32xbf16>
    %dot_general3A_405 = arith.constant dense<0.000000e+00> : vector<2048x256xf32>
    %dot_general3A_406 = tpu.matmul %slice3A_404, %convert_element_type3A_314, %dot_general3A_405 {dimension_numbers = #tpu.dot_dimension_numbers<[1], [0], [0], [1], [0, 0, 1, 1], [], []>, transpose_lhs_hint = false} : vector<2048x32xbf16>, vector<32x256xbf16>, vector<2048x256xf32> -> vector<2048x256xf32>
    %convert_element_type3A_407 = arith.truncf %dot_general3A_406 : vector<2048x256xf32> to vector<2048x256xbf16>
    %mul3A_408 = arith.mulf %dot_general3A_403, %dot_general3A_406 : vector<2048x256xf32>
    %add3A_409 = arith.addf %add3A_400, %mul3A_408 : vector<2048x256xf32>
    %slice3A_410 = vector.extract_strided_slice %convert_element_type3A_129 {offsets = [0, 24], sizes = [2048, 8], strides = [1, 1]} : vector<2048x56xbf16> to vector<2048x8xbf16>
    %dot_general3A_411 = arith.constant dense<0.000000e+00> : vector<2048x256xf32>
    %dot_general3A_412 = tpu.matmul %slice3A_410, %convert_element_type3A_286, %dot_general3A_411 {dimension_numbers = #tpu.dot_dimension_numbers<[1], [0], [0], [1], [0, 0, 1, 1], [], []>, transpose_lhs_hint = false} : vector<2048x8xbf16>, vector<8x256xbf16>, vector<2048x256xf32> -> vector<2048x256xf32>
    %slice3A_413 = vector.extract_strided_slice %convert_element_type3A_383 {offsets = [0, 96], sizes = [2048, 32], strides = [1, 1]} : vector<2048x256xbf16> to vector<2048x32xbf16>
    %dot_general3A_414 = arith.constant dense<0.000000e+00> : vector<2048x256xf32>
    %dot_general3A_415 = tpu.matmul %slice3A_413, %convert_element_type3A_314, %dot_general3A_414 {dimension_numbers = #tpu.dot_dimension_numbers<[1], [0], [0], [1], [0, 0, 1, 1], [], []>, transpose_lhs_hint = false} : vector<2048x32xbf16>, vector<32x256xbf16>, vector<2048x256xf32> -> vector<2048x256xf32>
    %convert_element_type3A_416 = arith.truncf %dot_general3A_415 : vector<2048x256xf32> to vector<2048x256xbf16>
    %mul3A_417 = arith.mulf %dot_general3A_412, %dot_general3A_415 : vector<2048x256xf32>
    %add3A_418 = arith.addf %add3A_409, %mul3A_417 : vector<2048x256xf32>
    %slice3A_419 = vector.extract_strided_slice %convert_element_type3A_129 {offsets = [0, 32], sizes = [2048, 8], strides = [1, 1]} : vector<2048x56xbf16> to vector<2048x8xbf16>
    %dot_general3A_420 = arith.constant dense<0.000000e+00> : vector<2048x256xf32>
    %dot_general3A_421 = tpu.matmul %slice3A_419, %convert_element_type3A_286, %dot_general3A_420 {dimension_numbers = #tpu.dot_dimension_numbers<[1], [0], [0], [1], [0, 0, 1, 1], [], []>, transpose_lhs_hint = false} : vector<2048x8xbf16>, vector<8x256xbf16>, vector<2048x256xf32> -> vector<2048x256xf32>
    %slice3A_422 = vector.extract_strided_slice %convert_element_type3A_383 {offsets = [0, 128], sizes = [2048, 32], strides = [1, 1]} : vector<2048x256xbf16> to vector<2048x32xbf16>
    %dot_general3A_423 = arith.constant dense<0.000000e+00> : vector<2048x256xf32>
    %dot_general3A_424 = tpu.matmul %slice3A_422, %convert_element_type3A_314, %dot_general3A_423 {dimension_numbers = #tpu.dot_dimension_numbers<[1], [0], [0], [1], [0, 0, 1, 1], [], []>, transpose_lhs_hint = false} : vector<2048x32xbf16>, vector<32x256xbf16>, vector<2048x256xf32> -> vector<2048x256xf32>
    %convert_element_type3A_425 = arith.truncf %dot_general3A_424 : vector<2048x256xf32> to vector<2048x256xbf16>
    %mul3A_426 = arith.mulf %dot_general3A_421, %dot_general3A_424 : vector<2048x256xf32>
    %add3A_427 = arith.addf %add3A_418, %mul3A_426 : vector<2048x256xf32>
    %slice3A_428 = vector.extract_strided_slice %convert_element_type3A_129 {offsets = [0, 40], sizes = [2048, 8], strides = [1, 1]} : vector<2048x56xbf16> to vector<2048x8xbf16>
    %dot_general3A_429 = arith.constant dense<0.000000e+00> : vector<2048x256xf32>
    %dot_general3A_430 = tpu.matmul %slice3A_428, %convert_element_type3A_286, %dot_general3A_429 {dimension_numbers = #tpu.dot_dimension_numbers<[1], [0], [0], [1], [0, 0, 1, 1], [], []>, transpose_lhs_hint = false} : vector<2048x8xbf16>, vector<8x256xbf16>, vector<2048x256xf32> -> vector<2048x256xf32>
    %slice3A_431 = vector.extract_strided_slice %convert_element_type3A_383 {offsets = [0, 160], sizes = [2048, 32], strides = [1, 1]} : vector<2048x256xbf16> to vector<2048x32xbf16>
    %dot_general3A_432 = arith.constant dense<0.000000e+00> : vector<2048x256xf32>
    %dot_general3A_433 = tpu.matmul %slice3A_431, %convert_element_type3A_314, %dot_general3A_432 {dimension_numbers = #tpu.dot_dimension_numbers<[1], [0], [0], [1], [0, 0, 1, 1], [], []>, transpose_lhs_hint = false} : vector<2048x32xbf16>, vector<32x256xbf16>, vector<2048x256xf32> -> vector<2048x256xf32>
    %convert_element_type3A_434 = arith.truncf %dot_general3A_433 : vector<2048x256xf32> to vector<2048x256xbf16>
    %mul3A_435 = arith.mulf %dot_general3A_430, %dot_general3A_433 : vector<2048x256xf32>
    %add3A_436 = arith.addf %add3A_427, %mul3A_435 : vector<2048x256xf32>
    %slice3A_437 = vector.extract_strided_slice %convert_element_type3A_129 {offsets = [0, 48], sizes = [2048, 8], strides = [1, 1]} : vector<2048x56xbf16> to vector<2048x8xbf16>
    %dot_general3A_438 = arith.constant dense<0.000000e+00> : vector<2048x256xf32>
    %dot_general3A_439 = tpu.matmul %slice3A_437, %convert_element_type3A_286, %dot_general3A_438 {dimension_numbers = #tpu.dot_dimension_numbers<[1], [0], [0], [1], [0, 0, 1, 1], [], []>, transpose_lhs_hint = false} : vector<2048x8xbf16>, vector<8x256xbf16>, vector<2048x256xf32> -> vector<2048x256xf32>
    %slice3A_440 = vector.extract_strided_slice %convert_element_type3A_383 {offsets = [0, 192], sizes = [2048, 32], strides = [1, 1]} : vector<2048x256xbf16> to vector<2048x32xbf16>
    %dot_general3A_441 = arith.constant dense<0.000000e+00> : vector<2048x256xf32>
    %dot_general3A_442 = tpu.matmul %slice3A_440, %convert_element_type3A_314, %dot_general3A_441 {dimension_numbers = #tpu.dot_dimension_numbers<[1], [0], [0], [1], [0, 0, 1, 1], [], []>, transpose_lhs_hint = false} : vector<2048x32xbf16>, vector<32x256xbf16>, vector<2048x256xf32> -> vector<2048x256xf32>
    %convert_element_type3A_443 = arith.truncf %dot_general3A_442 : vector<2048x256xf32> to vector<2048x256xbf16>
    %mul3A_444 = arith.mulf %dot_general3A_439, %dot_general3A_442 : vector<2048x256xf32>
    %add3A_445 = arith.addf %add3A_436, %mul3A_444 : vector<2048x256xf32>
    %reduce_max3A = arith.constant dense<0xFF800000> : vector<2048xf32>
    %reduce_max3A_446 = vector.multi_reduction <maximumf>, %add3A_445, %reduce_max3A [1] : vector<2048x256xf32> to vector<2048xf32>
    %broadcast_in_dim3A_447 = vector.shape_cast %reduce_max3A_446 : vector<2048xf32> to vector<2048x1xf32>
    %sub3A_448 = vector.broadcast %broadcast_in_dim3A_447 : vector<2048x1xf32> to vector<2048x256xf32>
    %sub3A_449 = arith.subf %add3A_445, %sub3A_448 : vector<2048x256xf32>
    %exp3A = math.exp %sub3A_449 : vector<2048x256xf32>
    %convert_element_type3A_450 = arith.truncf %exp3A : vector<2048x256xf32> to vector<2048x256xbf16>
    %dot_general3A_451 = arith.constant dense<0.000000e+00> : vector<2048x256xf32>
    %dot_general3A_452 = tpu.matmul %convert_element_type3A_450, %convert_element_type3A_382, %dot_general3A_451 {dimension_numbers = #tpu.dot_dimension_numbers<[1], [0], [0], [1], [0, 0, 1, 1], [], []>, transpose_lhs_hint = false} : vector<2048x256xbf16>, vector<256x256xbf16>, vector<2048x256xf32> -> vector<2048x256xf32>
    %div3A_453 = arith.divf %exp3A, %dot_general3A_452 : vector<2048x256xf32>
    %convert_element_type3A_454 = arith.truncf %div3A_453 : vector<2048x256xf32> to vector<2048x256xbf16>
    %mul3A_455 = arith.mulf %convert_element_type3A_454, %convert_element_type3A_390 : vector<2048x256xbf16>
    %slice3A_456 = vector.extract_strided_slice %convert_element_type3A_249 {offsets = [0, 0], sizes = [256, 7], strides = [1, 1]} : vector<256x49xbf16> to vector<256x7xbf16>
    %dot_general3A_457 = arith.constant dense<0.000000e+00> : vector<2048x7xf32>
    %dot_general3A_458 = tpu.matmul %mul3A_455, %slice3A_456, %dot_general3A_457 {dimension_numbers = #tpu.dot_dimension_numbers<[1], [0], [0], [1], [0, 0, 1, 1], [], []>, transpose_lhs_hint = false} : vector<2048x256xbf16>, vector<256x7xbf16>, vector<2048x7xf32> -> vector<2048x7xf32>
    %mul3A_459 = arith.mulf %convert_element_type3A_454, %convert_element_type3A_398 : vector<2048x256xbf16>
    %slice3A_460 = vector.extract_strided_slice %convert_element_type3A_249 {offsets = [0, 7], sizes = [256, 7], strides = [1, 1]} : vector<256x49xbf16> to vector<256x7xbf16>
    %dot_general3A_461 = arith.constant dense<0.000000e+00> : vector<2048x7xf32>
    %dot_general3A_462 = tpu.matmul %mul3A_459, %slice3A_460, %dot_general3A_461 {dimension_numbers = #tpu.dot_dimension_numbers<[1], [0], [0], [1], [0, 0, 1, 1], [], []>, transpose_lhs_hint = false} : vector<2048x256xbf16>, vector<256x7xbf16>, vector<2048x7xf32> -> vector<2048x7xf32>
    %add3A_463 = arith.addf %dot_general3A_458, %dot_general3A_462 : vector<2048x7xf32>
    %mul3A_464 = arith.mulf %convert_element_type3A_454, %convert_element_type3A_407 : vector<2048x256xbf16>
    %slice3A_465 = vector.extract_strided_slice %convert_element_type3A_249 {offsets = [0, 14], sizes = [256, 7], strides = [1, 1]} : vector<256x49xbf16> to vector<256x7xbf16>
    %dot_general3A_466 = arith.constant dense<0.000000e+00> : vector<2048x7xf32>
    %dot_general3A_467 = tpu.matmul %mul3A_464, %slice3A_465, %dot_general3A_466 {dimension_numbers = #tpu.dot_dimension_numbers<[1], [0], [0], [1], [0, 0, 1, 1], [], []>, transpose_lhs_hint = false} : vector<2048x256xbf16>, vector<256x7xbf16>, vector<2048x7xf32> -> vector<2048x7xf32>
    %add3A_468 = arith.addf %add3A_463, %dot_general3A_467 : vector<2048x7xf32>
    %mul3A_469 = arith.mulf %convert_element_type3A_454, %convert_element_type3A_416 : vector<2048x256xbf16>
    %slice3A_470 = vector.extract_strided_slice %convert_element_type3A_249 {offsets = [0, 21], sizes = [256, 7], strides = [1, 1]} : vector<256x49xbf16> to vector<256x7xbf16>
    %dot_general3A_471 = arith.constant dense<0.000000e+00> : vector<2048x7xf32>
    %dot_general3A_472 = tpu.matmul %mul3A_469, %slice3A_470, %dot_general3A_471 {dimension_numbers = #tpu.dot_dimension_numbers<[1], [0], [0], [1], [0, 0, 1, 1], [], []>, transpose_lhs_hint = false} : vector<2048x256xbf16>, vector<256x7xbf16>, vector<2048x7xf32> -> vector<2048x7xf32>
    %add3A_473 = arith.addf %add3A_468, %dot_general3A_472 : vector<2048x7xf32>
    %mul3A_474 = arith.mulf %convert_element_type3A_454, %convert_element_type3A_425 : vector<2048x256xbf16>
    %slice3A_475 = vector.extract_strided_slice %convert_element_type3A_249 {offsets = [0, 28], sizes = [256, 7], strides = [1, 1]} : vector<256x49xbf16> to vector<256x7xbf16>
    %dot_general3A_476 = arith.constant dense<0.000000e+00> : vector<2048x7xf32>
    %dot_general3A_477 = tpu.matmul %mul3A_474, %slice3A_475, %dot_general3A_476 {dimension_numbers = #tpu.dot_dimension_numbers<[1], [0], [0], [1], [0, 0, 1, 1], [], []>, transpose_lhs_hint = false} : vector<2048x256xbf16>, vector<256x7xbf16>, vector<2048x7xf32> -> vector<2048x7xf32>
    %add3A_478 = arith.addf %add3A_473, %dot_general3A_477 : vector<2048x7xf32>
    %mul3A_479 = arith.mulf %convert_element_type3A_454, %convert_element_type3A_434 : vector<2048x256xbf16>
    %slice3A_480 = vector.extract_strided_slice %convert_element_type3A_249 {offsets = [0, 35], sizes = [256, 7], strides = [1, 1]} : vector<256x49xbf16> to vector<256x7xbf16>
    %dot_general3A_481 = arith.constant dense<0.000000e+00> : vector<2048x7xf32>
    %dot_general3A_482 = tpu.matmul %mul3A_479, %slice3A_480, %dot_general3A_481 {dimension_numbers = #tpu.dot_dimension_numbers<[1], [0], [0], [1], [0, 0, 1, 1], [], []>, transpose_lhs_hint = false} : vector<2048x256xbf16>, vector<256x7xbf16>, vector<2048x7xf32> -> vector<2048x7xf32>
    %add3A_483 = arith.addf %add3A_478, %dot_general3A_482 : vector<2048x7xf32>
    %mul3A_484 = arith.mulf %convert_element_type3A_454, %convert_element_type3A_443 : vector<2048x256xbf16>
    %slice3A_485 = vector.extract_strided_slice %convert_element_type3A_249 {offsets = [0, 42], sizes = [256, 7], strides = [1, 1]} : vector<256x49xbf16> to vector<256x7xbf16>
    %dot_general3A_486 = arith.constant dense<0.000000e+00> : vector<2048x7xf32>
    %dot_general3A_487 = tpu.matmul %mul3A_484, %slice3A_485, %dot_general3A_486 {dimension_numbers = #tpu.dot_dimension_numbers<[1], [0], [0], [1], [0, 0, 1, 1], [], []>, transpose_lhs_hint = false} : vector<2048x256xbf16>, vector<256x7xbf16>, vector<2048x7xf32> -> vector<2048x7xf32>
    %add3A_488 = arith.addf %add3A_483, %dot_general3A_487 : vector<2048x7xf32>
    %add3A_489 = vector.broadcast %get3A_13 : vector<1x7xf32> to vector<2048x7xf32>
    %add3A_490 = arith.addf %add3A_488, %add3A_489 : vector<2048x7xf32>
    %add3A_491 = arith.addf %add3A_490, %get3A_1 : vector<2048x7xf32>
    %swap3A = arith.constant 0 : index
    %swap3A_492 = arith.constant 0 : index
    %swap3A_493 = vector.load %arg10[%swap3A, %swap3A_492] : memref<2048x7xf32, #tpu.memory_space<vmem>>, vector<2048x7xf32>
    tpu.vector_store %arg10[%swap3A, %swap3A_492], %add3A_491 {strides = array<i32>} : memref<2048x7xf32, #tpu.memory_space<vmem>>, vector<2048x7xf32>,
    return
  }
  func.func @transform_0(%arg0: i32) -> (i32, i32) {
    %c0_i32 = arith.constant 0 : i32
    %c0_i32_0 = arith.constant 0 : i32
    return %arg0, %c0_i32 : i32, i32
  }
  func.func @transform_1(%arg0: i32) -> (i32, i32) {
    %c0_i32 = arith.constant 0 : i32
    %c0_i32_0 = arith.constant 0 : i32
    return %arg0, %c0_i32 : i32, i32
  }
  func.func @transform_2(%arg0: i32) -> (i32, i32) {
    %c0_i32 = arith.constant 0 : i32
    %c0_i32_0 = arith.constant 0 : i32
    %c0_i32_1 = arith.constant 0 : i32
    return %c0_i32, %c0_i32_0 : i32, i32
  }
  func.func @transform_3(%arg0: i32) -> (i32, i32) {
    %c0_i32 = arith.constant 0 : i32
    %c0_i32_0 = arith.constant 0 : i32
    %c0_i32_1 = arith.constant 0 : i32
    return %c0_i32, %c0_i32_0 : i32, i32
  }
  func.func @transform_4(%arg0: i32) -> (i32, i32) {
    %c0_i32 = arith.constant 0 : i32
    %c0_i32_0 = arith.constant 0 : i32
    %c0_i32_1 = arith.constant 0 : i32
    return %c0_i32, %c0_i32_0 : i32, i32
  }
  func.func @transform_5(%arg0: i32) -> (i32, i32) {
    %c0_i32 = arith.constant 0 : i32
    %c0_i32_0 = arith.constant 0 : i32
    %c0_i32_1 = arith.constant 0 : i32
    return %c0_i32, %c0_i32_0 : i32, i32
  }
  func.func @transform_6(%arg0: i32) -> (i32, i32) {
    %c0_i32 = arith.constant 0 : i32
    %c0_i32_0 = arith.constant 0 : i32
    %c0_i32_1 = arith.constant 0 : i32
    return %c0_i32, %c0_i32_0 : i32, i32
  }
  func.func @transform_7(%arg0: i32) -> (i32, i32) {
    %c0_i32 = arith.constant 0 : i32
    %c0_i32_0 = arith.constant 0 : i32
    %c0_i32_1 = arith.constant 0 : i32
    return %c0_i32, %c0_i32_0 : i32, i32
  }
  func.func @transform_8(%arg0: i32) -> (i32, i32) {
    %c0_i32 = arith.constant 0 : i32
    %c0_i32_0 = arith.constant 0 : i32
    %c0_i32_1 = arith.constant 0 : i32
    return %c0_i32, %c0_i32_0 : i32, i32
  }
  func.func @transform_9(%arg0: i32) -> (i32, i32) {
    %c0_i32 = arith.constant 0 : i32
    %c0_i32_0 = arith.constant 0 : i32
    return %arg0, %c0_i32 : i32, i32
  }
}

</mosaic_0001>

<sc_bundles>
// kernel: kernel.4.cloned.1.call-start
scs
__scs_entry_jumppad:
0x0: {  	(pc) =	sbr.rel $0x88, $3  }
0x1: {  	(tag) =	ssettag $0x0;
	lr =	simm.s32 $0x1  }
0x2: {  	[smem:$0x3F98] =	sst lr;
	_ =	strace $0xD0000000  }
0x3: {  	_ = 	snop  }
0x4: {  	_ = 	snop  }
0x5: {  	_ = 	snop  }
0x6: {  	_ = 	snop  }
0x7: {  	_ = 	snop  }
__scs_overlays_trampoline_lowered:
0x8: {  	[smem:$0x3FA7] =	sst s0  }
0x9: {  	[smem:$0x3FA8] =	sst s1  }
0xa: {  	[smem:$0x3FA9] =	sst s2  }
0xb: {  	[smem:$0x3FAA] =	sst s3  }
0xc: {  	[smem:$0x3FAB] =	sst s4  }
0xd: {  	[smem:$0x3FAC] =	sst s5  }
0xe: {  	[smem:$0x3FAD] =	sst s6  }
0xf: {  	[smem:$0x3FAE] =	sst s7  }
0x10: {  	[smem:$0x3FAF] =	sst s8  }
0x11: {  	[smem:$0x3FB0] =	sst s9;
	s0 =	simm.s32 @!p0 $0x0  }
0x12: {  	s1 =	sld [smem:$0x3F96];
	s0 =	simm.s32 @p0 $0x1  }
0x13: {  	[smem:$0x3FB1] =	sst s0;
	s0 =	simm.s32 @!p1 $0x0  }
0x14: {  	s2 =	sld [smem:$0x3F95];
	s0 =	simm.s32 @p1 $0x1  }
0x15: {  	[smem:$0x3FB2] =	sst s0;
	s0 =	simm.s32 @!p2 $0x0  }
0x16: {  	s3 =	sld [smem:$0x3FDB];
	s0 =	simm.s32 @p2 $0x1  }
0x17: {  	s4 =	simm.s32 $0x1BF5;
	[smem:$0x3FB4] =	sst s0  }
0x18: {  	s0 =	sld [smem:$0x3F97];
	_ =	swait.ge [sflag:s4], $0x0  }
0x19: {  	s7 =	sld [smem:$0x3F98]  }
0x1a: {  	s8 =	sadd.s32 $0xFFFFE003, lr  }
0x1b: {  	s9 =	sadd.s32 $0xFFFFFEF7, lr;
	s5 =	simm.s32 $0xFFFFFFFF;
	p2 =	slt.u32 s8, $0xFFFFF086  }
0x1c: {  	p1 =	slt.u32 s9, $0xF7A;
	s5 =	simm.s32 @!p2 $0x0  }
0x1d: {  	s5 =	simm.s32 @p1 $0x1;
	p0 =	seq.s32 s7, s2  }
0x1e: {  	s7 =	smul.u32 @!p0 $0xF7A, s2;
	p2 =	seq.s32 @!p0 s5, $0x0  }
0x1f: {  	s9 =	smul.u32 $0xF7A, s1;
	s8 =	simm.s32 @!p0 $0x1BF5;
	p2 =	por !p2, p0  }
0x20: {  	[sflag:s8] =	ssyncset.s32 @!p0 $0xFFFFF086;
	s6 =	sadd.s32 @!p0 s3, s7;
	s7 =	simm.s32 @!p0 $0x108  }
0x21: {  	s3 =	sadd.s32 s3, s9;
	s6 =	sadd.s32 @!p0 $0x88, s6;
	s7 =	simm.s32 @p2 $0x1082  }
0x22: {  	[simem:s7], [sflag:s8] =	dma.local @!p0 [hbm:s6], $0xF7A  }
0x23: {  	s9 =	sor.u32 $0xD0000000, s2;
	s6 =	simm.s32 $0x108;
	_ =	swait.ge @!p0 [sflag:s8], $0x0  }
0x24: {  	s3 =	sadd.s32 $0x88, s3;
	s6 =	simm.s32 @!p1 $0x1082;
	[sflag:s4] =	ssyncset.s32 $0xFFFFF086  }
0x25: {  	[simem:s6], [sflag:s4] =	dma.local [hbm:s3], $0xF7A  }
0x26: {  	[smem:$0x3F98] =	sst s1;
	(tag) =	ssettag s2;
	_ =	strace s9  }
0x27: {  	s1 =	sld [smem:$0x3FA8]  }
0x28: {  	s2 =	sld [smem:$0x3FA9]  }
0x29: {  	s4 =	sld [smem:$0x3FAB]  }
0x2a: {  	p0 =	seq.s32 s5, $0x0;
	s5 =	sld [smem:$0x3FAC]  }
0x2b: {  	s6 =	sld [smem:$0x3FAD]  }
0x2c: {  	s7 =	sld [smem:$0x3FAE]  }
0x2d: {  	s3 =	simm.s32 $0x108;
	s8 =	sld [smem:$0x3FAF]  }
0x2e: {  	s3 =	simm.s32 @!p0 $0x1082;
	s9 =	sld [smem:$0x3FB0]  }
0x2f: {  	lr =	sadd.s32 s0, s3;
	s0 =	sld [smem:$0x3FA7]  }
0x30: {  	s3 =	sld [smem:$0x3FAA]  }
0x31: {  	[smem:$0x3FB3] =	sst s10  }
0x32: {  	s10 =	sld [smem:$0x3FB1];
	_ =	sdelay $0x3  }
0x33: {  	p0 =	seq.s32 s10, $0x1;
	s10 =	sld [smem:$0x3FB3];
	_ =	sdelay $0x3  }
0x34: {  	[smem:$0x3FB3] =	sst s10  }
0x35: {  	s10 =	sld [smem:$0x3FB2];
	_ =	sdelay $0x3  }
0x36: {  	p1 =	seq.s32 s10, $0x1;
	s10 =	sld [smem:$0x3FB3];
	_ =	sdelay $0x3  }
0x37: {  	[smem:$0x3FB3] =	sst s10  }
0x38: {  	s10 =	sld [smem:$0x3FB4]  }
0x39: {  	_ = 	snop;
	(pc) =	sbr.ind lr, $3  }
0x3a: {  	_ = 	snop  }
0x3b: {  	_ = 	snop  }
0x3c: {  	p2 =	seq.s32 s10, $0x1;
	s10 =	sld [smem:$0x3FB3]  }
0x3d: {  	_ =	shalt  }
0x3e: {  	_ =	shalt  }
0x3f: {  	_ =	shalt  }
0x40: {  	_ =	shalt  }
0x41: {  	_ =	shalt  }
0x42: {  	_ =	shalt  }
0x43: {  	_ =	shalt  }
0x44: {  	_ =	shalt  }
0x45: {  	_ =	shalt  }
0x46: {  	_ =	shalt  }
0x47: {  	_ =	shalt  }
0x48: {  	_ =	shalt  }
0x49: {  	_ =	shalt  }
0x4a: {  	_ =	shalt  }
0x4b: {  	_ =	shalt  }
0x4c: {  	_ =	shalt  }
0x4d: {  	_ =	shalt  }
0x4e: {  	_ =	shalt  }
0x4f: {  	_ =	shalt  }
0x50: {  	_ =	shalt  }
0x51: {  	_ =	shalt  }
0x52: {  	_ =	shalt  }
0x53: {  	_ =	shalt  }
0x54: {  	_ =	shalt  }
0x55: {  	_ =	shalt  }
0x56: {  	_ =	shalt  }
0x57: {  	_ =	shalt  }
0x58: {  	_ =	shalt  }
0x59: {  	_ =	shalt  }
0x5a: {  	_ =	shalt  }
0x5b: {  	_ =	shalt  }
0x5c: {  	_ =	shalt  }
0x5d: {  	_ =	shalt  }
0x5e: {  	_ =	shalt  }
0x5f: {  	_ =	shalt  }
0x60: {  	_ =	shalt  }
0x61: {  	_ =	shalt  }
0x62: {  	_ =	shalt  }
0x63: {  	_ =	shalt  }
0x64: {  	_ =	shalt  }
0x65: {  	_ =	shalt  }
0x66: {  	_ =	shalt  }
0x67: {  	_ =	shalt  }
0x68: {  	_ =	shalt  }
0x69: {  	_ =	shalt  }
0x6a: {  	_ =	shalt  }
0x6b: {  	_ =	shalt  }
0x6c: {  	_ =	shalt  }
0x6d: {  	_ =	shalt  }
0x6e: {  	_ =	shalt  }
0x6f: {  	_ =	shalt  }
0x70: {  	_ =	shalt  }
0x71: {  	_ =	shalt  }
0x72: {  	_ =	shalt  }
0x73: {  	_ =	shalt  }
0x74: {  	_ =	shalt  }
0x75: {  	_ =	shalt  }
0x76: {  	_ =	shalt  }
0x77: {  	_ =	shalt  }
0x78: {  	_ =	shalt  }
0x79: {  	_ =	shalt  }
0x7a: {  	_ =	shalt  }
0x7b: {  	_ =	shalt  }
0x7c: {  	_ =	shalt  }
0x7d: {  	_ =	shalt  }
0x7e: {  	_ =	shalt  }
0x7f: {  	_ =	shalt  }
0x80: {  	_ =	shalt  }
0x81: {  	_ =	shalt  }
0x82: {  	_ =	shalt  }
0x83: {  	_ =	shalt  }
0x84: {  	_ =	shalt  }
0x85: {  	_ =	shalt  }
0x86: {  	_ =	shalt  }
0x87: {  	_ =	shalt  }
.Lfunc_end0:
.L_simem_size_0:
called_computation_lowered:
.L_overlay_start_0:
0x88: {  	s2 =	sld [smem:$0x3FD9]  }
0x89: {  	s3 =	sld [smem:$0x3FFE];
	_ =	sdelay $0x1  }
0x8a: {  	s1 =	srdreg.scid  }
0x8b: {  	s0 =	sand.u32 $0x1, s1  }
0x8c: {  	s17 =	sshll.u32 s0, $0xA;
	s2 =	sadd.s32 s3, s2  }
0x8d: {  	s2 =	sadd.s32 s2, s17  }
0x8e: {  	[smem:$0x3FBF] =	sst s2  }
0x8f: {  	_ = 	snop  }
0x90: {  	s2 =	sld [smem:$0x3FD0];
	(tm) =	ssettm $0x1  }
0x91: {  	s18 =	sld [smem:$0x3FFB];
	_ =	sdelay $0x3  }
0x92: {  	_ =	strace s18  }
0x93: {  	s3 =	sld [smem:$0x3FFC];
	_ =	sdelay $0x3  }
0x94: {  	_ =	strace s3  }
0x95: {  	s3 =	sld [smem:$0x3FFD];
	_ =	sdelay $0x3  }
0x96: {  	_ =	strace s3  }
0x97: {  	_ =	strace $0x8FFFFFFF  }
0x98: {  	s19 =	sld [smem:$0x3FDB];
	_ =	sdelay $0x1  }
0x99: {  	s4 =	simm.s32 $_scs_section_size  }
0x9a: {  	s5 =	simm.s32 $_size__tile_overlayer_lowered;
	s6 =	simm.s32 $_tile_overlayer_lowered  }
0x9b: {  	s22 =	simm.s32 $0x1BFF;
	s21 =	sshll.u32 s6, $0x1;
	s3 =	sadd.s32 s4, s19  }
0x9c: {  	s7 =	simm.s32 $0x0;
	s20 =	sshll.u32 s5, $0x1;
	s5 =	sadd.s32 s21, s3  }
0x9d: {  	[timem:s7], [sflag:s22] =	dma.local [hbm:s5], s20  }
0x9e: {  	_ =	swait.ge [sflag:s22], s20  }
0x9f: {  	s4 =	ssub.s32 $0x0, s20;
	[sflag:s22] =	ssyncset.done $0x0  }
0xa0: {  	[sflag:s22] =	ssyncadd.s32 s4;
	_ =	sdelay $0x1  }
0xa1: {  	s23 =	simm.s32 $0x1B8B  }
0xa2: {  	_ =	swait.ge [sflag:s23], $0x1  }
0xa3: {  	[sflag:s23] =	ssyncset.done $0x0  }
0xa4: {  	s25 =	simm.s32 $0x1B8E;
	s24 =	sld [smem:$0x3FFE];
	[sflag:s23] =	ssyncadd.s32 $0xFFFFFFFF  }
0xa5: {  	s26 =	simm.s32 $execute0_lowered;
	[smem:$0x3FD2] =	sst s25  }
0xa6: {  	s5 =	sshll.u32 s26, $0x1;
	_ =	strace $0x80000046;
	[dreg:$0x1] =	wrdreg $0xFFFFFFFF  }
0xa7: {  	s28 =	simm.s32 $_size_execute0_lowered;
	s3 =	sadd.s32 s3, s5;
	[dreg:$0x0] =	wrdreg $0x0  }
0xa8: {  	s5 =	sshll.u32 s28, $0x1;
	[dreg:$0x2] =	wrdreg s3  }
0xa9: {  	[dreg:$0x3] =	wrdreg s5  }
0xaa: {  	[dreg:$0x4] =	wrdreg $0xC0  }
0xab: {  	_ =	task [dreg:s7], $0x5FFFF  }
0xac: {  	[dreg:$0x1] =	wrdreg $0xFFFFFFFF  }
0xad: {  	[dreg:$0x0] =	wrdreg $0x60  }
0xae: {  	[dreg:$0x2] =	wrdreg s2  }
0xaf: {  	[dreg:$0x3] =	wrdreg s24  }
0xb0: {  	[dreg:$0x4] =	wrdreg $0x9  }
0xb1: {  	_ =	task.clear_ibuf [dreg:s7], $0x5FFFF;
	_ =	strace $0x90000046  }
0xb2: {  	s29 =	simm.s32 $0x9;
	_ =	strace $0x80000048  }
0xb3: {  	_ =	swait.ge [sflag:s29], $0x1  }
0xb4: {  	[sflag:s29] =	ssyncadd.s32 $0xFFFFFFFF  }
0xb5: {  	_ =	strace $0x90000048  }
0xb6: {  	_ =	sfence  }
0xb7: {  	s30 =	sld [smem:$0x0];
	_ =	sdelay $0x2  }
0xb8: {  	s31 =	sshll.u32 s1, $0xD;
	s1 =	sshrl.u32 s1, $0x2  }
0xb9: {  	s3 =	sand.u32 $0x4000, s31;
	s1 =	sadd.s32 s1, s30  }
0xba: {  	s0 =	sor.u32 s3, s0;
	s1 =	sshll.u32 s1, $0x11  }
0xbb: {  	s0 =	sor.u32 s1, s0  }
0xbc: {  	s0 =	sadd.s32 $0x8F2B, s0  }
0xbd: {  	[sflag:s0] =	ssyncadd.remote.s32 $0x1  }
0xbe: {  	_ =	sfence.sel $0xFFFF  }
0xbf: {  	[dreg:$0x0] =	wrdreg $0xFFFFFFFF;
	(pc) =	sbr.abs _section_cstart, $3  }
0xc0: {  	[dreg:$0x1] =	wrdreg $0xFFFFFFFF  }
0xc1: {  	_ =	task.clear_ibuf [dreg:s7], $0x2FFFF;
	_ =	strace $0x9FFFFFFF  }
0xc2: {  	(tm) =	ssettm $0x7FFFFFFF  }
0xc3: {  	_ =	shalt  }
tec
execute0_lowered:
.L_overlay_start_1:
0x0: {  	(tag) =	ssettag $0x1  }
0x1: {  	s4 =	rddreg [dreg:$0x0];
	s1 =	srdreg.scid  }
0x2: {  	s0 =	stileid.u32;
	s3 =	rddreg [dreg:$0x1];
	s2 =	simm.s32 $0x0  }
0x3: {  	s10 =	simm.s32 $0x0;
	s5 =	sand.u32 $0x1, s1;
	s1 =	rddreg [dreg:$0x2]  }
0x4: {  	s6 =	sshll.u32 s0, $0x1;
	[smem:$0x7FF] =	sst s2;
	s8 =	sshrl.u32 s0, $0x3  }
0x5: {  	s6 =	sor.u32 s5, s6;
	_ =	strace $0x80000047;
	s5 =	ssub.s32 $0x2, s5  }
0x6: {  	s8 =	smul.u32 $0x700, s8;
	s7 =	sshll.u32 s6, $0x9;
	s6 =	sshll.u32 s6, $0xC  }
0x7: {  	s31 =	sshrl.u32 s5, $0x1;
	s7 =	sand.u32 $0x1E00, s7;
	s6 =	sadd.s32 s6, s3  }
0x8: {  	s9 =	ssub.s32 s5, s31;
	s4 =	sadd.s32 s4, s8;
	s8 =	simm.s32 $0x1000  }
0x9: {  	s7 =	sadd.s32 s7, s3;
	s5 =	sadd.s32 $0x3400, s6;
	s6 =	smax.u32 s9, $0x1  }
0xa: {  	s9 =	simm.s32 $0x4800;
	s3 =	sadd.s32 $0x1400, s7;
	s7 =	simm.s32 $0x1  }
.LBB2_1:
0xb: {  	[tilespmem:s2], [sflag:$0x1] =	stream.linear.gather [hbm4b:s3+s2], $0x1000, $0x38;
	[tilespmem:$0xC800] =	vst v63  }
0xc: {  	_ =	swait.ge [sflag:s7], $0x1000  }
0xd: {  	[sflag:s7] =	ssyncset.done $0x0  }
0xe: {  	[sflag:s7] =	ssyncadd.s32 $0xFFFFF000  }
0xf: {  	[tilespmem:s8], [sflag:$0x1] =	stream.linear.gather [hbm4b:s4+s2], $0x3800, $0x38;
	[tilespmem:$0xC800] =	vst v63  }
0x10: {  	_ =	swait.ge [sflag:s7], $0x3800  }
0x11: {  	[sflag:s7] =	ssyncset.done $0x0  }
0x12: {  	s12 =	simm.s32 $0x40;
	[sflag:s7] =	ssyncadd.s32 $0xFFFFC800  }
0x13: {  	v0 =	vld [tilespmem:s12+$0x20]  }
0x14: {  	v1 =	vld [tilespmem:s12+$0xFFFFFFE0]  }
0x15: {  	v2 =	vld [tilespmem:s12+$0x0];
	_ =	sdelay $0x2  }
0x16: {  	v3 =	vld [tilespmem:s12+$0xFFFFFFC0];
	v0 =	vmul.u32 $0x7, v0  }
0x17: {  	v1 =	vmul.u32 $0x7, v1  }
0x18: {  	v2 =	vmul.u32 $0x7, v2;
	_ =	sdelay $0x2  }
0x19: {  	v3 =	vmul.u32 $0x7, v3  }
0x1a: {  	v4 =	vld.idx.msk [tilespmem:v0+s8+$0x0], $0xffff  }
0x1b: {  	v6 =	vadd.s32 $0x1, v0;
	v5 =	vld.idx.msk [tilespmem:v1+s8+$0x0], $0xffff  }
0x1c: {  	v7 =	vadd.s32 $0x1, v1;
	v8 =	vld.idx.msk [tilespmem:v2+s8+$0x0], $0xffff  }
0x1d: {  	v9 =	vadd.s32 $0x1, v2  }
0x1e: {  	s11 =	simm.s32 $0x4A00  }
0x1f: {  	v10 =	vld.idx.msk [tilespmem:v3+s8+$0x0], $0xffff;
	[tilespmem:s11+$0x100] =	vst v4  }
0x20: {  	v4 =	vadd.s32 $0x1, v3;
	[tilespmem:s11+$0xFFFFFF00] =	vst v5;
	v5 =	vld.idx.msk [tilespmem:v6+s8+$0x0], $0xffff  }
0x21: {  	[tilespmem:s11+$0x0] =	vst v8;
	v6 =	vld.idx.msk [tilespmem:v7+s8+$0x0], $0xffff;
	v7 =	vadd.s32 $0x2, v0  }
0x22: {  	v8 =	vadd.s32 $0x2, v1;
	v9 =	vld.idx.msk [tilespmem:v9+s8+$0x0], $0xffff  }
0x23: {  	v11 =	vadd.s32 $0x2, v2  }
0x24: {  	[tilespmem:s11+$0xFFFFFE00] =	vst v10  }
0x25: {  	v4 =	vld.idx.msk [tilespmem:v4+s8+$0x0], $0xffff;
	[tilespmem:s11+$0x120] =	vst v5  }
0x26: {  	v5 =	vadd.s32 $0x2, v3;
	[tilespmem:s11+$0xFFFFFF20] =	vst v6;
	v6 =	vld.idx.msk [tilespmem:v7+s8+$0x0], $0xffff  }
0x27: {  	[tilespmem:s11+$0x20] =	vst v9;
	v7 =	vld.idx.msk [tilespmem:v8+s8+$0x0], $0xffff;
	v8 =	vadd.s32 $0x3, v0  }
0x28: {  	v9 =	vadd.s32 $0x3, v1;
	v10 =	vld.idx.msk [tilespmem:v11+s8+$0x0], $0xffff  }
0x29: {  	v11 =	vadd.s32 $0x3, v2  }
0x2a: {  	[tilespmem:s11+$0xFFFFFE20] =	vst v4  }
0x2b: {  	v4 =	vld.idx.msk [tilespmem:v5+s8+$0x0], $0xffff;
	[tilespmem:s11+$0x140] =	vst v6  }
0x2c: {  	v5 =	vadd.s32 $0x3, v3;
	[tilespmem:s11+$0xFFFFFF40] =	vst v7;
	v6 =	vld.idx.msk [tilespmem:v8+s8+$0x0], $0xffff  }
0x2d: {  	[tilespmem:s11+$0x40] =	vst v10;
	v7 =	vld.idx.msk [tilespmem:v9+s8+$0x0], $0xffff;
	v8 =	vadd.s32 $0x4, v0  }
0x2e: {  	v9 =	vadd.s32 $0x4, v1;
	v10 =	vld.idx.msk [tilespmem:v11+s8+$0x0], $0xffff  }
0x2f: {  	v11 =	vadd.s32 $0x4, v2  }
0x30: {  	[tilespmem:s11+$0xFFFFFE40] =	vst v4  }
0x31: {  	v4 =	vld.idx.msk [tilespmem:v5+s8+$0x0], $0xffff;
	[tilespmem:s11+$0x160] =	vst v6  }
0x32: {  	v5 =	vadd.s32 $0x4, v3;
	[tilespmem:s11+$0xFFFFFF60] =	vst v7;
	v6 =	vld.idx.msk [tilespmem:v8+s8+$0x0], $0xffff  }
0x33: {  	[tilespmem:s11+$0x60] =	vst v10;
	v7 =	vld.idx.msk [tilespmem:v9+s8+$0x0], $0xffff;
	v8 =	vadd.s32 $0x5, v0  }
0x34: {  	v9 =	vadd.s32 $0x5, v1;
	v10 =	vld.idx.msk [tilespmem:v11+s8+$0x0], $0xffff  }
0x35: {  	v11 =	vadd.s32 $0x5, v2  }
0x36: {  	[tilespmem:s11+$0xFFFFFE60] =	vst v4  }
0x37: {  	v4 =	vld.idx.msk [tilespmem:v5+s8+$0x0], $0xffff;
	[tilespmem:s11+$0x180] =	vst v6  }
0x38: {  	v5 =	vadd.s32 $0x5, v3;
	[tilespmem:s11+$0xFFFFFF80] =	vst v7;
	v6 =	vld.idx.msk [tilespmem:v8+s8+$0x0], $0xffff  }
0x39: {  	v0 =	vadd.s32 $0x6, v0;
	[tilespmem:s11+$0x80] =	vst v10;
	v7 =	vld.idx.msk [tilespmem:v9+s8+$0x0], $0xffff  }
0x3a: {  	v1 =	vadd.s32 $0x6, v1;
	v8 =	vld.idx.msk [tilespmem:v11+s8+$0x0], $0xffff  }
0x3b: {  	v2 =	vadd.s32 $0x6, v2  }
0x3c: {  	[tilespmem:s11+$0xFFFFFE80] =	vst v4  }
0x3d: {  	v4 =	vld.idx.msk [tilespmem:v5+s8+$0x0], $0xffff;
	[tilespmem:s11+$0x1A0] =	vst v6  }
0x3e: {  	v3 =	vadd.s32 $0x6, v3;
	[tilespmem:s11+$0xFFFFFFA0] =	vst v7;
	v0 =	vld.idx.msk [tilespmem:v0+s8+$0x0], $0xffff  }
0x3f: {  	[tilespmem:s11+$0xA0] =	vst v8;
	v1 =	vld.idx.msk [tilespmem:v1+s8+$0x0], $0xffff  }
0x40: {  	v2 =	vld.idx.msk [tilespmem:v2+s8+$0x0], $0xffff;
	_ =	sdelay $0x1  }
0x41: {  	s13 =	simm.s32 $0x60;
	[tilespmem:s11+$0xFFFFFEA0] =	vst v4  }
0x42: {  	s14 =	simm.s32 $0x20;
	s13 =	sor.u32 $0x70, s13;
	v3 =	vld.idx.msk [tilespmem:v3+s8+$0x0], $0xffff;
	[tilespmem:s11+$0x1C0] =	vst v0  }
0x43: {  	s15 =	simm.s32 $0x40;
	s14 =	sor.u32 $0x30, s14;
	[tilespmem:s11+$0xFFFFFFC0] =	vst v1;
	v0 =	vld [tilespmem:s13+$0x0]  }
0x44: {  	s29 =	sor.u32 $0x50, s15;
	[tilespmem:s11+$0xC0] =	vst v2;
	v1 =	vld [tilespmem:s14+$0x0]  }
0x45: {  	v2 =	vld [tilespmem:s29+$0x0];
	s13 =	simm.s32 $0xC0  }
0x46: {  	v4 =	vld [tilespmem:s13+$0x20]  }
0x47: {  	v5 =	vld [tilespmem:s13+$0xFFFFFFE0]  }
0x48: {  	v7 =	vld [tilespmem:s13+$0x0];
	v6 =	vmul.u32 $0x7, v0  }
0x49: {  	v0 =	vmul.u32 $0x7, v1;
	v1 =	vld [tilespmem:s13+$0xFFFFFFC0]  }
0x4a: {  	v2 =	vmul.u32 $0x7, v2  }
0x4b: {  	v4 =	vmul.u32 $0x7, v4  }
0x4c: {  	[tilespmem:s11+$0xFFFFFEC0] =	vst v3;
	v5 =	vmul.u32 $0x7, v5  }
0x4d: {  	v3 =	vld [tilespmem:s12+$0xFFFFFFD0];
	v7 =	vmul.u32 $0x7, v7  }
0x4e: {  	v1 =	vmul.u32 $0x7, v1;
	v8 =	vld.idx.msk [tilespmem:v6+s8+$0x0], $0xffff  }
0x4f: {  	v9 =	vld.idx.msk [tilespmem:v0+s8+$0x0], $0xffff  }
0x50: {  	v10 =	vadd.s32 $0x1, v6;
	v11 =	vld.idx.msk [tilespmem:v2+s8+$0x0], $0xffff  }
0x51: {  	v12 =	vadd.s32 $0x1, v0;
	v13 =	vld.idx.msk [tilespmem:v4+s8+$0x0], $0xffff  }
0x52: {  	v14 =	vadd.s32 $0x1, v2;
	v15 =	vld.idx.msk [tilespmem:v5+s8+$0x0], $0xffff  }
0x53: {  	v17 =	vadd.s32 $0x1, v4;
	v16 =	vld.idx.msk [tilespmem:v7+s8+$0x0], $0xffff;
	[tilespmem:s11+$0x110] =	vst v8  }
0x54: {  	v18 =	vadd.s32 $0x1, v7;
	[tilespmem:s11+$0xFFFFFF10] =	vst v9;
	v9 =	vld.idx.msk [tilespmem:v1+s8+$0x0], $0xffff  }
0x55: {  	v8 =	vadd.s32 $0x1, v5;
	v10 =	vld.idx.msk [tilespmem:v10+s8+$0x0], $0xffff  }
0x56: {  	s12 =	simm.s32 $0x4E00;
	v3 =	vmul.u32 $0x7, v3;
	v19 =	vadd.s32 $0x1, v1;
	[tilespmem:s11+$0x10] =	vst v11;
	v11 =	vld.idx.msk [tilespmem:v12+s8+$0x0], $0xffff  }
0x57: {  	[tilespmem:s12+$0x100] =	vst v13;
	v31 =	vld.idx.msk [tilespmem:v14+s8+$0x0], $0xffff  }
0x58: {  	v30 =	vadd.s32 $0x2, v6;
	[tilespmem:s12+$0x0] =	vst v16;
	v32 =	vld.idx.msk [tilespmem:v17+s8+$0x0], $0xffff  }
0x59: {  	v33 =	vadd.s32 $0x2, v0;
	[tilespmem:s12+$0xFFFFFF00] =	vst v15;
	v16 =	vld.idx.msk [tilespmem:v18+s8+$0x0], $0xffff  }
0x5a: {  	v35 =	vadd.s32 $0x2, v7;
	v8 =	vld.idx.msk [tilespmem:v8+s8+$0x0], $0xffff;
	[tilespmem:s12+$0xFFFFFE00] =	vst v9  }
0x5b: {  	v34 =	vadd.s32 $0x2, v4;
	[tilespmem:s11+$0x130] =	vst v10;
	v36 =	vld.idx.msk [tilespmem:v19+s8+$0x0], $0xffff  }
0x5c: {  	v10 =	vadd.s32 $0x2, v5;
	[tilespmem:s11+$0xFFFFFF30] =	vst v11;
	v11 =	vld.idx.msk [tilespmem:v3+s8+$0x0], $0xffff  }
0x5d: {  	v38 =	vadd.s32 $0x2, v1;
	[tilespmem:s11+$0x30] =	vst v31;
	v9 =	vld.idx.msk [tilespmem:v30+s8+$0x0], $0xffff  }
0x5e: {  	v40 =	vadd.s32 $0x1, v3;
	v39 =	vld.idx.msk [tilespmem:v33+s8+$0x0], $0xffff;
	[tilespmem:s12+$0x20] =	vst v16  }
0x5f: {  	v37 =	vadd.s32 $0x3, v6;
	[tilespmem:s12+$0x120] =	vst v32;
	v12 =	vld.idx.msk [tilespmem:v35+s8+$0x0], $0xffff  }
0x60: {  	v43 =	vadd.s32 $0x3, v7;
	[tilespmem:s12+$0xFFFFFF20] =	vst v8;
	v8 =	vld.idx.msk [tilespmem:v34+s8+$0x0], $0xffff  }
0x61: {  	v41 =	vadd.s32 $0x2, v2;
	v10 =	vld.idx.msk [tilespmem:v10+s8+$0x0], $0xffff;
	[tilespmem:s12+$0xFFFFFE20] =	vst v36  }
0x62: {  	v42 =	vadd.s32 $0x3, v4;
	[tilespmem:s11+$0xFFFFFE10] =	vst v11;
	v19 =	vld.idx.msk [tilespmem:v38+s8+$0x0], $0xffff  }
0x63: {  	[tilespmem:s11+$0x150] =	vst v9;
	v9 =	vadd.s32 $0x3, v5;
	v11 =	vld.idx.msk [tilespmem:v40+s8+$0x0], $0xffff  }
0x64: {  	v45 =	vadd.s32 $0x3, v1;
	v13 =	vld.idx.msk [tilespmem:v37+s8+$0x0], $0xffff;
	[tilespmem:s12+$0x40] =	vst v12  }
0x65: {  	v46 =	vadd.s32 $0x2, v3;
	[tilespmem:s11+$0xFFFFFF50] =	vst v39;
	v12 =	vld.idx.msk [tilespmem:v43+s8+$0x0], $0xffff  }
0x66: {  	v44 =	vadd.s32 $0x4, v6;
	[tilespmem:s12+$0x140] =	vst v8;
	v8 =	vld.idx.msk [tilespmem:v41+s8+$0x0], $0xffff  }
0x67: {  	v50 =	vadd.s32 $0x4, v7;
	[tilespmem:s12+$0xFFFFFF40] =	vst v10;
	v10 =	vld.idx.msk [tilespmem:v42+s8+$0x0], $0xffff  }
0x68: {  	v47 =	vadd.s32 $0x3, v0;
	v9 =	vld.idx.msk [tilespmem:v9+s8+$0x0], $0xffff;
	[tilespmem:s12+$0xFFFFFE40] =	vst v19  }
0x69: {  	v48 =	vadd.s32 $0x4, v4;
	[tilespmem:s11+$0xFFFFFE30] =	vst v11;
	v15 =	vld.idx.msk [tilespmem:v45+s8+$0x0], $0xffff  }
0x6a: {  	v49 =	vadd.s32 $0x4, v5;
	[tilespmem:s11+$0x170] =	vst v13;
	v11 =	vld.idx.msk [tilespmem:v46+s8+$0x0], $0xffff  }
0x6b: {  	v51 =	vadd.s32 $0x4, v1;
	v14 =	vld.idx.msk [tilespmem:v44+s8+$0x0], $0xffff;
	[tilespmem:s12+$0x60] =	vst v12  }
0x6c: {  	v52 =	vadd.s32 $0x3, v3;
	[tilespmem:s11+$0x50] =	vst v8;
	v12 =	vld.idx.msk [tilespmem:v50+s8+$0x0], $0xffff  }
0x6d: {  	v8 =	vadd.s32 $0x5, v6;
	[tilespmem:s12+$0x160] =	vst v10;
	v10 =	vld.idx.msk [tilespmem:v47+s8+$0x0], $0xffff  }
0x6e: {  	v56 =	vadd.s32 $0x5, v7;
	[tilespmem:s12+$0xFFFFFF60] =	vst v9;
	v9 =	vld.idx.msk [tilespmem:v48+s8+$0x0], $0xffff  }
0x6f: {  	v53 =	vadd.s32 $0x3, v2;
	v13 =	vld.idx.msk [tilespmem:v49+s8+$0x0], $0xffff;
	[tilespmem:s12+$0xFFFFFE60] =	vst v15  }
0x70: {  	v54 =	vadd.s32 $0x5, v4;
	[tilespmem:s11+$0xFFFFFE50] =	vst v11;
	v17 =	vld.idx.msk [tilespmem:v51+s8+$0x0], $0xffff  }
0x71: {  	v55 =	vadd.s32 $0x5, v5;
	[tilespmem:s11+$0x190] =	vst v14;
	v11 =	vld.idx.msk [tilespmem:v52+s8+$0x0], $0xffff  }
0x72: {  	v57 =	vadd.s32 $0x4, v3;
	v8 =	vld.idx.msk [tilespmem:v8+s8+$0x0], $0xffff;
	[tilespmem:s12+$0x80] =	vst v12  }
0x73: {  	v6 =	vadd.s32 $0x6, v6;
	[tilespmem:s11+$0xFFFFFF70] =	vst v10;
	v12 =	vld.idx.msk [tilespmem:v56+s8+$0x0], $0xffff  }
0x74: {  	v10 =	vadd.s32 $0x5, v1;
	[tilespmem:s12+$0x180] =	vst v9;
	v9 =	vld.idx.msk [tilespmem:v53+s8+$0x0], $0xffff  }
0x75: {  	v59 =	vadd.s32 $0x4, v0;
	[tilespmem:s12+$0xFFFFFF80] =	vst v13;
	v58 =	vld.idx.msk [tilespmem:v54+s8+$0x0], $0xffff  }
0x76: {  	v7 =	vadd.s32 $0x6, v7;
	v14 =	vld.idx.msk [tilespmem:v55+s8+$0x0], $0xffff;
	[tilespmem:s11+$0xFFFFFE70] =	vst v11  }
0x77: {  	v4 =	vadd.s32 $0x6, v4;
	[tilespmem:s11+$0x1B0] =	vst v8;
	v11 =	vld.idx.msk [tilespmem:v57+s8+$0x0], $0xffff  }
0x78: {  	v5 =	vadd.s32 $0x6, v5;
	[tilespmem:s12+$0xFFFFFE80] =	vst v17;
	v6 =	vld.idx.msk [tilespmem:v6+s8+$0x0], $0xffff  }
0x79: {  	v8 =	vld.idx.msk [tilespmem:v10+s8+$0x0], $0xffff;
	v10 =	vadd.s32 $0x4, v2;
	[tilespmem:s12+$0xA0] =	vst v12  }
0x7a: {  	v60 =	vadd.s32 $0x5, v3;
	[tilespmem:s11+$0x70] =	vst v9;
	v9 =	vld.idx.msk [tilespmem:v59+s8+$0x0], $0xffff  }
0x7b: {  	v1 =	vadd.s32 $0x6, v1;
	v12 =	vld.idx.msk [tilespmem:v7+s8+$0x0], $0xffff;
	[tilespmem:s12+$0x1A0] =	vst v58  }
0x7c: {  	v62 =	vadd.s32 $0x5, v0;
	[tilespmem:s12+$0xFFFFFFA0] =	vst v14;
	v61 =	vld.idx.msk [tilespmem:v4+s8+$0x0], $0xffff  }
0x7d: {  	v63 =	vld.idx.msk [tilespmem:v5+s8+$0x0], $0xffff;
	[tilespmem:s11+$0xFFFFFE90] =	vst v11  }
0x7e: {  	[tilespmem:s12+$0xFFFFFEA0] =	vst v8;
	v8 =	vld.idx.msk [tilespmem:v10+s8+$0x0], $0xffff  }
0x7f: {  	[tilespmem:s11+$0x1D0] =	vst v6;
	v4 =	vld.idx.msk [tilespmem:v60+s8+$0x0], $0xffff  }
0x80: {  	s14 =	simm.s32 $0xE0;
	v11 =	vadd.s32 $0x5, v2;
	v10 =	vld.idx.msk [tilespmem:v1+s8+$0x0], $0xffff;
	[tilespmem:s11+$0xFFFFFF90] =	vst v9  }
0x81: {  	s30 =	simm.s32 $0xA0;
	s16 =	sor.u32 $0x70, s14;
	v5 =	vld.idx.msk [tilespmem:v62+s8+$0x0], $0xffff;
	[tilespmem:s12+$0x1C0] =	vst v61  }
0x82: {  	s17 =	simm.s32 $0xC0;
	s15 =	sor.u32 $0x30, s30;
	[tilespmem:s12+$0xFFFFFFC0] =	vst v63;
	v6 =	vld [tilespmem:s16+$0x0]  }
0x83: {  	s31 =	sor.u32 $0x50, s17;
	[tilespmem:s12+$0xC0] =	vst v12;
	v7 =	vld [tilespmem:s15+$0x0]  }
0x84: {  	v9 =	vld [tilespmem:s31+$0x0];
	[tilespmem:s11+$0x90] =	vst v8  }
0x85: {  	v1 =	vadd.s32 $0x6, v0;
	v0 =	vadd.s32 $0x6, v2;
	v2 =	vadd.s32 $0x6, v3;
	s16 =	simm.s32 $0x140;
	s15 =	simm.s32 $0x4;
	[tilespmem:s12+$0xFFFFFEC0] =	vst v10;
	v3 =	vld.idx.msk [tilespmem:v11+s8+$0x0], $0xffff  }
.LBB2_2:
0x86: {  	v8 =	vld [tilespmem:s16+$0x20];
	s15 =	sadd.s32 $0x4, s15;
	[tilespmem:s11+$0xFFFFFEB0] =	vst v4  }
0x87: {  	v4 =	vld [tilespmem:s16+$0xFFFFFFE0];
	p0 =	slt.u32 s15, $0x7C;
	v6 =	vmul.u32 $0x7, v6;
	[tilespmem:s11+$0xFFFFFFB0] =	vst v5  }
0x88: {  	v10 =	vld [tilespmem:s16+$0x0];
	v16 =	vmul.u32 $0x7, v7  }
0x89: {  	v12 =	vld [tilespmem:s16+$0xFFFFFFC0];
	v18 =	vmul.u32 $0x7, v9  }
0x8a: {  	v19 =	vld [tilespmem:s13+$0xFFFFFFD0];
	v20 =	vadd.s32 $0x1, v16;
	v21 =	vadd.s32 $0x2, v16;
	v11 =	vadd.s32 $0x3, v16;
	s13 =	smov.u32 s16  }
0x8b: {  	v7 =	vmul.u32 $0x7, v8;
	v22 =	vadd.s32 $0x1, v18;
	v23 =	vadd.s32 $0x2, v18;
	v2 =	vld.idx.msk [tilespmem:v2+s8+$0x0], $0xffff;
	[tilespmem:s11+$0xB0] =	vst v3  }
0x8c: {  	v5 =	vadd.s32 $0x4, v16;
	v9 =	vadd.s32 $0x3, v18;
	v8 =	vmul.u32 $0x7, v4;
	v1 =	vld.idx.msk [tilespmem:v1+s8+$0x0], $0xffff  }
0x8d: {  	v3 =	vadd.s32 $0x5, v16;
	v4 =	vadd.s32 $0x4, v18;
	v24 =	vmul.u32 $0x7, v10;
	v10 =	vld.idx.msk [tilespmem:v6+s8+$0x0], $0xffff  }
0x8e: {  	v25 =	vmul.u32 $0x7, v12;
	v26 =	vadd.s32 $0x1, v8;
	v27 =	vadd.s32 $0x2, v8;
	v28 =	vld.idx.msk [tilespmem:v16+s8+$0x0], $0xffff  }
0x8f: {  	v32 =	vadd.s32 $0x1, v6;
	v29 =	vadd.s32 $0x1, v24;
	v30 =	vadd.s32 $0x2, v24;
	v31 =	vld.idx.msk [tilespmem:v18+s8+$0x0], $0xffff  }
0x90: {  	v33 =	vadd.s32 $0x1, v25;
	v34 =	vadd.s32 $0x2, v25;
	v35 =	vadd.s32 $0x3, v25;
	v36 =	vld.idx.msk [tilespmem:v0+s8+$0x0], $0xffff  }
0x91: {  	v38 =	vadd.s32 $0x3, v8;
	v39 =	vadd.s32 $0x3, v24;
	v37 =	vadd.s32 $0x4, v25;
	v40 =	vld.idx.msk [tilespmem:v7+s8+$0x0], $0xffff;
	[tilespmem:s11+$0xFFFFFED0] =	vst v2  }
0x92: {  	v41 =	vadd.s32 $0x4, v8;
	v42 =	vadd.s32 $0x4, v24;
	v13 =	vadd.s32 $0x5, v25;
	v2 =	vld.idx.msk [tilespmem:v8+s8+$0x0], $0xffff;
	[tilespmem:s11+$0xFFFFFFD0] =	vst v1  }
0x93: {  	v44 =	vadd.s32 $0x1, v7;
	v17 =	vadd.s32 $0x5, v8;
	v15 =	vadd.s32 $0x5, v24;
	v43 =	vld.idx.msk [tilespmem:v24+s8+$0x0], $0xffff;
	[tilespmem:s12+$0x110] =	vst v10  }
0x94: {  	v14 =	vadd.s32 $0x6, v8;
	v12 =	vadd.s32 $0x6, v24;
	v10 =	vadd.s32 $0x6, v25;
	[tilespmem:s12+$0xFFFFFF10] =	vst v28;
	v24 =	vld.idx.msk [tilespmem:v32+s8+$0x0], $0xffff  }
0x95: {  	v19 =	vmul.u32 $0x7, v19;
	v1 =	vadd.s32 $0x6, v16;
	v8 =	vadd.s32 $0x5, v18;
	v25 =	vld.idx.msk [tilespmem:v25+s8+$0x0], $0xffff;
	[tilespmem:s12+$0x10] =	vst v31  }
0x96: {  	v0 =	vadd.s32 $0x6, v18;
	v18 =	vadd.s32 $0x2, v6;
	v20 =	vld.idx.msk [tilespmem:v20+s8+$0x0], $0xffff;
	[tilespmem:s11+$0xD0] =	vst v36;
	s11 =	smov.u32 s12;
	s12 =	sadd.s32 $0x400, s12  }
0x97: {  	v28 =	vadd.s32 $0x1, v19;
	v32 =	vadd.s32 $0x3, v19;
	v31 =	vadd.s32 $0x2, v19;
	[tilespmem:s12+$0x100] =	vst v40;
	v22 =	vld.idx.msk [tilespmem:v22+s8+$0x0], $0xffff  }
0x98: {  	v16 =	vadd.s32 $0x5, v19;
	v40 =	vadd.s32 $0x4, v19;
	[tilespmem:s12+$0xFFFFFF00] =	vst v2;
	v36 =	vld.idx.msk [tilespmem:v44+s8+$0x0], $0xffff;
	v2 =	vadd.s32 $0x6, v19  }
0x99: {  	v26 =	vld.idx.msk [tilespmem:v26+s8+$0x0], $0xffff;
	[tilespmem:s12+$0x0] =	vst v43  }
0x9a: {  	v43 =	vadd.s32 $0x2, v7;
	v29 =	vld.idx.msk [tilespmem:v29+s8+$0x0], $0xffff;
	[tilespmem:s11+$0x130] =	vst v24  }
0x9b: {  	[tilespmem:s12+$0xFFFFFE00] =	vst v25;
	v18 =	vld.idx.msk [tilespmem:v18+s8+$0x0], $0xffff  }
0x9c: {  	v24 =	vld.idx.msk [tilespmem:v33+s8+$0x0], $0xffff;
	[tilespmem:s11+$0xFFFFFF30] =	vst v20  }
0x9d: {  	v20 =	vadd.s32 $0x3, v6;
	v19 =	vld.idx.msk [tilespmem:v19+s8+$0x0], $0xffff;
	[tilespmem:s11+$0x30] =	vst v22  }
0x9e: {  	[tilespmem:s12+$0x120] =	vst v36;
	v21 =	vld.idx.msk [tilespmem:v21+s8+$0x0], $0xffff  }
0x9f: {  	[tilespmem:s12+$0xFFFFFF20] =	vst v26;
	v22 =	vld.idx.msk [tilespmem:v43+s8+$0x0], $0xffff  }
0xa0: {  	v25 =	vld.idx.msk [tilespmem:v27+s8+$0x0], $0xffff;
	[tilespmem:s12+$0x20] =	vst v29  }
0xa1: {  	v27 =	vadd.s32 $0x3, v7;
	v26 =	vld.idx.msk [tilespmem:v30+s8+$0x0], $0xffff;
	[tilespmem:s11+$0x150] =	vst v18  }
0xa2: {  	[tilespmem:s12+$0xFFFFFE20] =	vst v24;
	v18 =	vld.idx.msk [tilespmem:v20+s8+$0x0], $0xffff  }
0xa3: {  	v20 =	vld.idx.msk [tilespmem:v34+s8+$0x0], $0xffff;
	[tilespmem:s11+$0xFFFFFE10] =	vst v19  }
0xa4: {  	v19 =	vld.idx.msk [tilespmem:v28+s8+$0x0], $0xffff;
	[tilespmem:s11+$0xFFFFFF50] =	vst v21;
	v21 =	vadd.s32 $0x4, v6  }
0xa5: {  	[tilespmem:s12+$0x140] =	vst v22;
	v22 =	vld.idx.msk [tilespmem:v23+s8+$0x0], $0xffff  }
0xa6: {  	[tilespmem:s12+$0xFFFFFF40] =	vst v25;
	v23 =	vld.idx.msk [tilespmem:v27+s8+$0x0], $0xffff  }
0xa7: {  	v24 =	vld.idx.msk [tilespmem:v38+s8+$0x0], $0xffff;
	[tilespmem:s12+$0x40] =	vst v26  }
0xa8: {  	v26 =	vadd.s32 $0x4, v7;
	v25 =	vld.idx.msk [tilespmem:v39+s8+$0x0], $0xffff;
	[tilespmem:s11+$0x170] =	vst v18  }
0xa9: {  	[tilespmem:s12+$0xFFFFFE40] =	vst v20;
	v18 =	vld.idx.msk [tilespmem:v21+s8+$0x0], $0xffff  }
0xaa: {  	v20 =	vld.idx.msk [tilespmem:v35+s8+$0x0], $0xffff;
	[tilespmem:s11+$0xFFFFFE30] =	vst v19  }
0xab: {  	v21 =	vadd.s32 $0x5, v6;
	v19 =	vld.idx.msk [tilespmem:v31+s8+$0x0], $0xffff;
	[tilespmem:s11+$0x50] =	vst v22  }
0xac: {  	[tilespmem:s12+$0x160] =	vst v23;
	v11 =	vld.idx.msk [tilespmem:v11+s8+$0x0], $0xffff  }
0xad: {  	[tilespmem:s12+$0xFFFFFF60] =	vst v24;
	v22 =	vld.idx.msk [tilespmem:v26+s8+$0x0], $0xffff  }
0xae: {  	v23 =	vld.idx.msk [tilespmem:v41+s8+$0x0], $0xffff;
	[tilespmem:s12+$0x60] =	vst v25  }
0xaf: {  	v25 =	vadd.s32 $0x5, v7;
	v24 =	vld.idx.msk [tilespmem:v42+s8+$0x0], $0xffff;
	[tilespmem:s11+$0x190] =	vst v18  }
0xb0: {  	[tilespmem:s12+$0xFFFFFE60] =	vst v20;
	v18 =	vld.idx.msk [tilespmem:v21+s8+$0x0], $0xffff  }
0xb1: {  	v20 =	vld.idx.msk [tilespmem:v37+s8+$0x0], $0xffff;
	[tilespmem:s11+$0xFFFFFE50] =	vst v19  }
0xb2: {  	v6 =	vadd.s32 $0x6, v6;
	v19 =	vld.idx.msk [tilespmem:v32+s8+$0x0], $0xffff;
	[tilespmem:s11+$0xFFFFFF70] =	vst v11  }
0xb3: {  	[tilespmem:s12+$0x180] =	vst v22;
	v9 =	vld.idx.msk [tilespmem:v9+s8+$0x0], $0xffff  }
0xb4: {  	[tilespmem:s12+$0xFFFFFF80] =	vst v23;
	v11 =	vld.idx.msk [tilespmem:v25+s8+$0x0], $0xffff  }
0xb5: {  	v17 =	vld.idx.msk [tilespmem:v17+s8+$0x0], $0xffff;
	[tilespmem:s12+$0x80] =	vst v24  }
0xb6: {  	v7 =	vadd.s32 $0x6, v7;
	v15 =	vld.idx.msk [tilespmem:v15+s8+$0x0], $0xffff;
	[tilespmem:s11+$0x1B0] =	vst v18  }
0xb7: {  	[tilespmem:s12+$0xFFFFFE80] =	vst v20;
	v6 =	vld.idx.msk [tilespmem:v6+s8+$0x0], $0xffff  }
0xb8: {  	v13 =	vld.idx.msk [tilespmem:v13+s8+$0x0], $0xffff;
	[tilespmem:s11+$0xFFFFFE70] =	vst v19  }
0xb9: {  	v18 =	vld.idx.msk [tilespmem:v40+s8+$0x0], $0xffff;
	[tilespmem:s11+$0x70] =	vst v9  }
0xba: {  	[tilespmem:s12+$0x1A0] =	vst v11;
	v5 =	vld.idx.msk [tilespmem:v5+s8+$0x0], $0xffff  }
0xbb: {  	[tilespmem:s12+$0xFFFFFFA0] =	vst v17;
	v7 =	vld.idx.msk [tilespmem:v7+s8+$0x0], $0xffff  }
0xbc: {  	v9 =	vld.idx.msk [tilespmem:v14+s8+$0x0], $0xffff;
	[tilespmem:s12+$0xA0] =	vst v15  }
0xbd: {  	v11 =	vld.idx.msk [tilespmem:v12+s8+$0x0], $0xffff;
	[tilespmem:s11+$0x1D0] =	vst v6  }
0xbe: {  	[tilespmem:s12+$0xFFFFFEA0] =	vst v13;
	v12 =	vld.idx.msk [tilespmem:v4+s8+$0x0], $0xffff  }
0xbf: {  	s14 =	sadd.s32 $0x80, s14;
	v10 =	vld.idx.msk [tilespmem:v10+s8+$0x0], $0xffff;
	[tilespmem:s11+$0xFFFFFE90] =	vst v18  }
0xc0: {  	s17 =	sadd.s32 $0xFFFFFFC0, s14;
	v4 =	vld.idx.msk [tilespmem:v16+s8+$0x0], $0xffff;
	[tilespmem:s11+$0xFFFFFF90] =	vst v5  }
.Ltmp0:
0xc1: {  	s18 =	sadd.s32 $0xFFFFFFE0, s14;
	s19 =	sor.u32 $0x70, s14;
	[tilespmem:s12+$0x1C0] =	vst v7;
	v5 =	vld.idx.msk [tilespmem:v3+s8+$0x0], $0xffff;
	(pc) =	sbr.rel @p0 .LBB2_2-.Ltmp0, $4  }
0xc2: {  	s17 =	sor.u32 $0x30, s17;
	s18 =	sor.u32 $0x50, s18;
	[tilespmem:s12+$0xFFFFFFC0] =	vst v9;
	v6 =	vld [tilespmem:s19+$0x0]  }
0xc3: {  	v7 =	vld [tilespmem:s17+$0x0];
	[tilespmem:s12+$0xC0] =	vst v11  }
0xc4: {  	v9 =	vld [tilespmem:s18+$0x0];
	[tilespmem:s11+$0x90] =	vst v12  }
0xc5: {  	s16 =	sadd.s32 $0x80, s16;
	[tilespmem:s12+$0xFFFFFEC0] =	vst v10;
	v3 =	vld.idx.msk [tilespmem:v8+s8+$0x0], $0xffff  }
0xc6: {  	v8 =	vld [tilespmem:s13+$0xFFFFFFD0];
	_ =	sdelay $0x1  }
0xc7: {  	v6 =	vmul.u32 $0x7, v6  }
0xc8: {  	v7 =	vmul.u32 $0x7, v7  }
0xc9: {  	v9 =	vmul.u32 $0x7, v9  }
0xca: {  	v8 =	vmul.u32 $0x7, v8;
	_ =	sdelay $0x2  }
0xcb: {  	v10 =	vld.idx.msk [tilespmem:v6+s8+$0x0], $0xffff  }
0xcc: {  	v11 =	vadd.s32 $0x1, v6;
	v13 =	vld.idx.msk [tilespmem:v7+s8+$0x0], $0xffff  }
0xcd: {  	v15 =	vadd.s32 $0x1, v7;
	v16 =	vld.idx.msk [tilespmem:v9+s8+$0x0], $0xffff  }
0xce: {  	v17 =	vadd.s32 $0x1, v9;
	v12 =	vld.idx.msk [tilespmem:v8+s8+$0x0], $0xffff  }
0xcf: {  	v14 =	vadd.s32 $0x1, v8  }
0xd0: {  	[tilespmem:s12+$0x110] =	vst v10  }
0xd1: {  	v10 =	vld.idx.msk [tilespmem:v11+s8+$0x0], $0xffff;
	[tilespmem:s12+$0xFFFFFF10] =	vst v13  }
0xd2: {  	v41 =	vadd.s32 $0x2, v6;
	[tilespmem:s12+$0x10] =	vst v16;
	v13 =	vld.idx.msk [tilespmem:v15+s8+$0x0], $0xffff  }
0xd3: {  	v43 =	vadd.s32 $0x2, v7;
	v16 =	vld.idx.msk [tilespmem:v17+s8+$0x0], $0xffff;
	[tilespmem:s12+$0xFFFFFE10] =	vst v12  }
0xd4: {  	v44 =	vadd.s32 $0x2, v9;
	v12 =	vld.idx.msk [tilespmem:v14+s8+$0x0], $0xffff  }
0xd5: {  	v42 =	vadd.s32 $0x2, v8  }
0xd6: {  	[tilespmem:s12+$0x130] =	vst v10  }
0xd7: {  	v10 =	vld.idx.msk [tilespmem:v41+s8+$0x0], $0xffff;
	[tilespmem:s12+$0xFFFFFF30] =	vst v13  }
0xd8: {  	v45 =	vadd.s32 $0x3, v6;
	[tilespmem:s12+$0x30] =	vst v16;
	v47 =	vld.idx.msk [tilespmem:v43+s8+$0x0], $0xffff  }
0xd9: {  	v48 =	vadd.s32 $0x3, v7;
	v16 =	vld.idx.msk [tilespmem:v44+s8+$0x0], $0xffff;
	[tilespmem:s12+$0xFFFFFE30] =	vst v12  }
0xda: {  	v49 =	vadd.s32 $0x3, v9;
	v12 =	vld.idx.msk [tilespmem:v42+s8+$0x0], $0xffff  }
0xdb: {  	v46 =	vadd.s32 $0x3, v8  }
0xdc: {  	[tilespmem:s12+$0x150] =	vst v10  }
0xdd: {  	v10 =	vld.idx.msk [tilespmem:v45+s8+$0x0], $0xffff;
	[tilespmem:s12+$0xFFFFFF50] =	vst v47  }
0xde: {  	v50 =	vadd.s32 $0x4, v6;
	[tilespmem:s12+$0x50] =	vst v16;
	v14 =	vld.idx.msk [tilespmem:v48+s8+$0x0], $0xffff  }
0xdf: {  	v52 =	vadd.s32 $0x4, v7;
	v16 =	vld.idx.msk [tilespmem:v49+s8+$0x0], $0xffff;
	[tilespmem:s12+$0xFFFFFE50] =	vst v12  }
0xe0: {  	v53 =	vadd.s32 $0x4, v9;
	v12 =	vld.idx.msk [tilespmem:v46+s8+$0x0], $0xffff  }
0xe1: {  	v51 =	vadd.s32 $0x4, v8  }
0xe2: {  	[tilespmem:s12+$0x170] =	vst v10  }
0xe3: {  	v10 =	vld.idx.msk [tilespmem:v50+s8+$0x0], $0xffff;
	[tilespmem:s12+$0xFFFFFF70] =	vst v14  }
0xe4: {  	v54 =	vadd.s32 $0x5, v6;
	[tilespmem:s12+$0x70] =	vst v16;
	v14 =	vld.idx.msk [tilespmem:v52+s8+$0x0], $0xffff  }
0xe5: {  	v56 =	vadd.s32 $0x5, v7;
	v57 =	vld.idx.msk [tilespmem:v53+s8+$0x0], $0xffff;
	[tilespmem:s12+$0xFFFFFE70] =	vst v12  }
0xe6: {  	[tilespmem:s11+$0xFFFFFEB0] =	vst v4;
	v58 =	vadd.s32 $0x5, v9;
	v12 =	vld.idx.msk [tilespmem:v51+s8+$0x0], $0xffff  }
0xe7: {  	[tilespmem:s11+$0xFFFFFFB0] =	vst v5;
	v55 =	vadd.s32 $0x5, v8  }
0xe8: {  	v2 =	vld.idx.msk [tilespmem:v2+s8+$0x0], $0xffff;
	[tilespmem:s12+$0x190] =	vst v10  }
0xe9: {  	v10 =	vld.idx.msk [tilespmem:v54+s8+$0x0], $0xffff;
	[tilespmem:s12+$0xFFFFFF90] =	vst v14  }
0xea: {  	v6 =	vadd.s32 $0x6, v6;
	v4 =	vld.idx.msk [tilespmem:v56+s8+$0x0], $0xffff;
	[tilespmem:s12+$0x90] =	vst v57  }
0xeb: {  	v60 =	vadd.s32 $0x6, v7;
	v5 =	vld.idx.msk [tilespmem:v58+s8+$0x0], $0xffff;
	[tilespmem:s12+$0xFFFFFE90] =	vst v12  }
0xec: {  	[tilespmem:s11+$0xB0] =	vst v3;
	v61 =	vadd.s32 $0x6, v9;
	v59 =	vld.idx.msk [tilespmem:v55+s8+$0x0], $0xffff  }
0xed: {  	v1 =	vld.idx.msk [tilespmem:v1+s8+$0x0], $0xffff;
	[tilespmem:s11+$0xFFFFFED0] =	vst v2;
	v8 =	vadd.s32 $0x6, v8  }
0xee: {  	v0 =	vld.idx.msk [tilespmem:v0+s8+$0x0], $0xffff;
	[tilespmem:s12+$0x1B0] =	vst v10  }
0xef: {  	v6 =	vld.idx.msk [tilespmem:v6+s8+$0x0], $0xffff;
	[tilespmem:s12+$0xFFFFFFB0] =	vst v4  }
0xf0: {  	[tilespmem:s12+$0xB0] =	vst v5;
	v3 =	vld.idx.msk [tilespmem:v60+s8+$0x0], $0xffff  }
0xf1: {  	v63 =	vld.idx.msk [tilespmem:v61+s8+$0x0], $0xffff;
	[tilespmem:s12+$0xFFFFFEB0] =	vst v59  }
0xf2: {  	[tilespmem:s11+$0xFFFFFFD0] =	vst v1;
	v62 =	vld.idx.msk [tilespmem:v8+s8+$0x0], $0xffff  }
0xf3: {  	[tilespmem:s11+$0xD0] =	vst v0  }
0xf4: {  	[tilespmem:s12+$0x1D0] =	vst v6  }
0xf5: {  	s10 =	sadd.s32 $0x1, s10;
	[tilespmem:s12+$0xFFFFFFD0] =	vst v3  }
0xf6: {  	p0 =	sne.s32 s10, s6;
	[tilespmem:s12+$0xD0] =	vst v63  }
.Ltmp1:
0xf7: {  	[tilespmem:s12+$0xFFFFFED0] =	vst v62;
	(pc) =	sbr.rel @p0 .LBB2_1-.Ltmp1, $4  }
0xf8: {  	[hbm4b:s5+s2] =	stream.linear.scatter [tilespmem:s9], [sflag:$0x1], $0x8000, $0x38;
	[tilespmem:$0xC800] =	vst v63  }
0xf9: {  	_ =	swait.ge [sflag:s7], $0x8000  }
0xfa: {  	[sflag:s7] =	ssyncset.done $0x0  }
0xfb: {  	[sflag:s7] =	ssyncadd.s32 $0xFFFF8000  }
0xfc: {  	_ =	sfence.sel $0x180000  }
0xfd: {  	[bflag:$0x0] =	sbarrier.arrive $0xFFFF  }
0xfe: {  	p0 =	sne.s32 s0, $0x0;
	_ =	strace $0x90000047  }
0xff: {  	s0 =	sadd.s32 @!p0 $0x100000, s1;
	[bflag:$0x2] =	sbarrier.arrive $0xFFFF  }
0x100: {  	[sflag:s0] =	ssyncadd.tile.s32 @!p0 $0x1;
	_ =	shalt  }
.Lfunc_end2:
_tile_overlayer_lowered:
.L_overlay_start_2:
0x101: {  	(tag) =	ssettag $0x2  }
0x102: {  	s0 =	rddreg [dreg:$0x0];
	s2 =	stileid.u32  }
0x103: {  	s1 =	rddreg [dreg:$0x1];
	p0 =	sne.s32 s2, $0x0  }
0x104: {  	s3 =	rddreg [dreg:$0x2];
	[bflag:$0x3] =	sbarrier.arrive $0xFFFF;
	s2 =	simm.s32 @!p0 $0x1C01  }
0x105: {  	[timem:s3], [sflag:s2] =	dma.local @!p0 [hbm:s0], s1  }
0x106: {  	s0 =	simm.s32 @!p0 $0x1  }
0x107: {  	_ =	swait.ge @!p0 [sflag:s0], s1  }
0x108: {  	s1 =	ssub.s32 @!p0 $0x0, s1;
	[sflag:s0] =	ssyncset.done @!p0 $0x0  }
0x109: {  	[sflag:s0] =	ssyncadd.s32 @!p0 s1  }
0x10a: {  	[bflag:$0x3] =	sbarrier.arrive $0xFFFF  }
0x10b: {  	_ =	shalt  }

</sc_bundles>
